<compile_context>
chip_gen: v7x
topology: tpu7x:2x2x1
jax: 0.10.2.dev20260603
libtpu: 0.0.44.dev20260713+nightly
codegen_flags: <defaults>
</compile_context>

<pallas_src>
import functools

import jax
import jax.numpy as jnp
from jax import lax
from jax.experimental import pallas as pl
from jax.experimental.pallas import tpu as pltpu
from jax.experimental.pallas import tpu_sc as plsc

_VOCAB = 50277
_D = 1024
_B = 4
_S = 4096
_N = _B * _S

_NC = 2
_NS = 16
_NW = _NC * _NS
_BPW = _N // _NW
_CH = 16
_NCHUNK = _BPW // _CH
_NBUF = 6


_IDX0 = 128


def _gather_body(table_hbm, idx_hbm, out_hbm, idx_v, *scr):
    wid = lax.axis_index("s") * _NC + lax.axis_index("c")
    base = wid * _BPW
    bufs = scr[:_NBUF]
    gsems = scr[_NBUF:2 * _NBUF]
    osems = scr[2 * _NBUF:3 * _NBUF]
    isem = scr[3 * _NBUF]
    pltpu.sync_copy(idx_hbm.at[pl.ds(base, _IDX0)], idx_v.at[pl.ds(0, _IDX0)])
    idx_rest = pltpu.async_copy(
        idx_hbm.at[pl.ds(base + _IDX0, _BPW - _IDX0)],
        idx_v.at[pl.ds(_IDX0, _BPW - _IDX0)], isem)

    def gather(c):
        b = c % _NBUF
        return pltpu.async_copy(
            table_hbm.at[idx_v.at[pl.ds(c * _CH, _CH)]], bufs[b], gsems[b])

    def put(c):
        b = c % _NBUF
        return pltpu.async_copy(
            bufs[b], out_hbm.at[pl.ds(base + c * _CH, _CH)], osems[b])

    g = [None] * _NCHUNK
    o = [None] * _NCHUNK
    waited = set()
    idx_waited = False

    def ensure_idx(c):
        nonlocal idx_waited
        if not idx_waited and (c + 1) * _CH > _IDX0:
            idx_rest.wait()
            idx_waited = True

    for c in range(_NBUF - 1):
        ensure_idx(c)
        g[c] = gather(c)
    for c in range(_NCHUNK):
        j = c + _NBUF - 1
        if j < _NCHUNK:
            if c >= 1:
                o[c - 1].wait()
                waited.add(c - 1)
            ensure_idx(j)
            g[j] = gather(j)
        g[c].wait()
        o[c] = put(c)
    for c in range(_NCHUNK):
        if c not in waited:
            o[c].wait()


@jax.jit
def _gather(table, idx_flat):
    mesh = plsc.VectorSubcoreMesh(core_axis_name="c", subcore_axis_name="s")
    k = functools.partial(
        pl.kernel,
        mesh=mesh,
        out_type=jax.ShapeDtypeStruct((_N, _D), jnp.float32),
        scratch_types=(
            [pltpu.VMEM((_BPW,), jnp.int32)]
            + [pltpu.VMEM((_CH, _D), jnp.float32)] * _NBUF
            + [pltpu.SemaphoreType.DMA] * (2 * _NBUF + 1)
        ),
    )(_gather_body)
    return k(table, idx_flat)


def kernel(input_ids, word_embeddings):
    idx_flat = input_ids.reshape(-1).astype(jnp.int32)
    out = _gather(word_embeddings, idx_flat)
    return out.reshape(_B, _S, _D)

# --- scband reference (transcript-rebuilt; emitter-appended) ---
"""Pipeline reference for scband-bi-mamba-embeddings-39230231282185 (READ-ONLY COPY).

The authoritative reference and input builder live on the scoring server;
editing this copy changes nothing except your own understanding.
"""

import jax, jax.numpy as jnp
import numpy as np

VOCAB = 50277
D_MODEL = 1024
BATCH = 4
SEQLEN = 4096

def setup_inputs(seed: int = 0) -> dict:
    key = jax.random.key(seed)
    k1, k2 = jax.random.split(key)
    input_ids = jax.random.randint(k1, (BATCH, SEQLEN), 0, VOCAB, dtype=jnp.int64 if jax.config.jax_enable_x64 else jnp.int32)
    word_embeddings = jax.random.normal(k2, (VOCAB, D_MODEL), dtype=jnp.float32)
    return {"input_ids": input_ids, "word_embeddings": word_embeddings}

def reference(input_ids, word_embeddings):
    # nn.Embedding lookup: table[idx]
    return jnp.take(word_embeddings, input_ids, axis=0)

if __name__ == "__main__":
    import jax
    _d = setup_inputs()
    print(jax.jit(kernel)(*tuple(_d.values())))

</pallas_src>

<mosaic_0001>
#map = affine_map<(d0, d1) -> (0, 0)>
#map1 = affine_map<(d0, d1) -> (0)>
module attributes {stable_mosaic.version = 14 : i64} {
  func.func @_gather_body(%arg0: i32, %arg1: i32, %arg2: memref<50277x1024xf32, #tpu.memory_space<hbm>>, %arg3: memref<16384xi32, #tpu.memory_space<hbm>>, %arg4: memref<16384x1024xf32, #tpu.memory_space<hbm>>, %arg5: memref<512xi32, #tpu.memory_space<vmem>>, %arg6: memref<16x1024xf32, #tpu.memory_space<vmem>>, %arg7: memref<16x1024xf32, #tpu.memory_space<vmem>>, %arg8: memref<16x1024xf32, #tpu.memory_space<vmem>>, %arg9: memref<16x1024xf32, #tpu.memory_space<vmem>>, %arg10: memref<16x1024xf32, #tpu.memory_space<vmem>>, %arg11: memref<16x1024xf32, #tpu.memory_space<vmem>>, %arg12: memref<!tpu.dma_semaphore, #tpu.memory_space<semaphore_mem>>, %arg13: memref<!tpu.dma_semaphore, #tpu.memory_space<semaphore_mem>>, %arg14: memref<!tpu.dma_semaphore, #tpu.memory_space<semaphore_mem>>, %arg15: memref<!tpu.dma_semaphore, #tpu.memory_space<semaphore_mem>>, %arg16: memref<!tpu.dma_semaphore, #tpu.memory_space<semaphore_mem>>, %arg17: memref<!tpu.dma_semaphore, #tpu.memory_space<semaphore_mem>>, %arg18: memref<!tpu.dma_semaphore, #tpu.memory_space<semaphore_mem>>, %arg19: memref<!tpu.dma_semaphore, #tpu.memory_space<semaphore_mem>>, %arg20: memref<!tpu.dma_semaphore, #tpu.memory_space<semaphore_mem>>, %arg21: memref<!tpu.dma_semaphore, #tpu.memory_space<semaphore_mem>>, %arg22: memref<!tpu.dma_semaphore, #tpu.memory_space<semaphore_mem>>, %arg23: memref<!tpu.dma_semaphore, #tpu.memory_space<semaphore_mem>>, %arg24: memref<!tpu.dma_semaphore, #tpu.memory_space<semaphore_mem>>) attributes {dimension_semantics = [#tpu.dimension_semantics<core_parallel>, #tpu.dimension_semantics<subcore_parallel>], iteration_bounds = array<i64: 2, 16>, scalar_prefetch = 0 : i64, scratch_operands = 20 : i64, tpu.core_type = #tpu.core_type<sc_vector_subcore>, window_params = [{transform_indices = #map}, {transform_indices = #map1}, {transform_indices = #map}]} {
    %mul3A = arith.constant 2 : i32
    %mul3A_0 = arith.muli %arg1, %mul3A : i32
    %add3A = arith.addi %mul3A_0, %arg0 : i32
    %mul3A_1 = arith.constant 512 : i32
    %mul3A_2 = arith.muli %add3A, %mul3A_1 : i32
    "tpu.region"() ({
      %run_scoped3A = tpu.sem_alloc : memref<!tpu.dma_semaphore, #tpu.memory_space<semaphore_mem>>
      %dma_start3A_655 = arith.constant 0 : i32
      %dma_start3A_656 = tpu.memref_slice %arg5[%dma_start3A_655] : memref<512xi32, #tpu.memory_space<vmem>> -> memref<128xi32, #tpu.memory_space<vmem>>
      %dma_start3A_657 = tpu.memref_slice %arg3[%mul3A_2] : memref<16384xi32, #tpu.memory_space<hbm>> -> memref<128xi32, #tpu.memory_space<hbm>>
      %dma_start3A_658 = arith.constant 0 : i32
      %dma_start3A_659 = tpu.memref_slice %arg5[%dma_start3A_658] : memref<512xi32, #tpu.memory_space<vmem>> -> memref<128xi32, #tpu.memory_space<vmem>>
      %dma_start3A_660 = tpu.memref_slice %arg3[%mul3A_2] : memref<16384xi32, #tpu.memory_space<hbm>> -> memref<128xi32, #tpu.memory_space<hbm>>
      tpu.enqueue_dma source(%dma_start3A_660 : memref<128xi32, #tpu.memory_space<hbm>>) target(%dma_start3A_659 : memref<128xi32, #tpu.memory_space<vmem>>) target_semaphore(%run_scoped3A : memref<!tpu.dma_semaphore, #tpu.memory_space<semaphore_mem>>)
      %dma_wait3A_661 = arith.constant 0 : i32
      %dma_wait3A_662 = tpu.memref_slice %arg5[%dma_wait3A_661] : memref<512xi32, #tpu.memory_space<vmem>> -> memref<128xi32, #tpu.memory_space<vmem>>
      %dma_wait3A_663 = tpu.memref_slice %arg3[%mul3A_2] : memref<16384xi32, #tpu.memory_space<hbm>> -> memref<128xi32, #tpu.memory_space<hbm>>
      %dma_wait3A_664 = arith.constant 0 : i32
      %dma_wait3A_665 = tpu.memref_slice %arg5[%dma_wait3A_664] : memref<512xi32, #tpu.memory_space<vmem>> -> memref<128xi32, #tpu.memory_space<vmem>>
      %dma_wait3A_666 = tpu.memref_slice %arg3[%mul3A_2] : memref<16384xi32, #tpu.memory_space<hbm>> -> memref<128xi32, #tpu.memory_space<hbm>>
      tpu.wait_dma2 semaphore(%run_scoped3A : memref<!tpu.dma_semaphore, #tpu.memory_space<semaphore_mem>>) src(%dma_wait3A_666 : memref<128xi32, #tpu.memory_space<hbm>>) dst(%dma_wait3A_665 : memref<128xi32, #tpu.memory_space<vmem>>)
      tpu.yield
    }) : () -> ()
    %add3A_3 = arith.constant 128 : i32
    %add3A_4 = arith.addi %mul3A_2, %add3A_3 : i32
    %dma_start3A = arith.constant 128 : i32
    %dma_start3A_5 = tpu.memref_slice %arg5[%dma_start3A] : memref<512xi32, #tpu.memory_space<vmem>> -> memref<384xi32, #tpu.memory_space<vmem>>
    %dma_start3A_6 = tpu.memref_slice %arg3[%add3A_4] : memref<16384xi32, #tpu.memory_space<hbm>> -> memref<384xi32, #tpu.memory_space<hbm>>
    %dma_start3A_7 = arith.constant 128 : i32
    %dma_start3A_8 = tpu.memref_slice %arg5[%dma_start3A_7] : memref<512xi32, #tpu.memory_space<vmem>> -> memref<384xi32, #tpu.memory_space<vmem>>
    %dma_start3A_9 = tpu.memref_slice %arg3[%add3A_4] : memref<16384xi32, #tpu.memory_space<hbm>> -> memref<384xi32, #tpu.memory_space<hbm>>
    tpu.enqueue_dma source(%dma_start3A_9 : memref<384xi32, #tpu.memory_space<hbm>>) target(%dma_start3A_8 : memref<384xi32, #tpu.memory_space<vmem>>) target_semaphore(%arg24 : memref<!tpu.dma_semaphore, #tpu.memory_space<semaphore_mem>>)
    %dma_start3A_10 = arith.constant 0 : i32
    %dma_start3A_11 = tpu.memref_slice %arg5[%dma_start3A_10] : memref<512xi32, #tpu.memory_space<vmem>> -> memref<16xi32, #tpu.memory_space<vmem>>
    %dma_start3A_12 = arith.constant 0 : i32
    %dma_start3A_13 = arith.constant 0 : i32
    %dma_start3A_14 = tpu.memref_slice %arg2[%dma_start3A_12, %dma_start3A_13] : memref<50277x1024xf32, #tpu.memory_space<hbm>> -> memref<50277x1024xf32, #tpu.memory_space<hbm>>
    tpu.enqueue_indirect_dma source(%dma_start3A_14 : memref<50277x1024xf32, #tpu.memory_space<hbm>>) target(%arg6 : memref<16x1024xf32, #tpu.memory_space<vmem>>) offsets(%dma_start3A_11 : memref<16xi32, #tpu.memory_space<vmem>>) semaphore(%arg12 : memref<!tpu.dma_semaphore, #tpu.memory_space<semaphore_mem>>)
    %dma_start3A_15 = arith.constant 16 : i32
    %dma_start3A_16 = tpu.memref_slice %arg5[%dma_start3A_15] : memref<512xi32, #tpu.memory_space<vmem>> -> memref<16xi32, #tpu.memory_space<vmem>>
    %dma_start3A_17 = arith.constant 0 : i32
    %dma_start3A_18 = arith.constant 0 : i32
    %dma_start3A_19 = tpu.memref_slice %arg2[%dma_start3A_17, %dma_start3A_18] : memref<50277x1024xf32, #tpu.memory_space<hbm>> -> memref<50277x1024xf32, #tpu.memory_space<hbm>>
    tpu.enqueue_indirect_dma source(%dma_start3A_19 : memref<50277x1024xf32, #tpu.memory_space<hbm>>) target(%arg7 : memref<16x1024xf32, #tpu.memory_space<vmem>>) offsets(%dma_start3A_16 : memref<16xi32, #tpu.memory_space<vmem>>) semaphore(%arg13 : memref<!tpu.dma_semaphore, #tpu.memory_space<semaphore_mem>>)
    %dma_start3A_20 = arith.constant 32 : i32
    %dma_start3A_21 = tpu.memref_slice %arg5[%dma_start3A_20] : memref<512xi32, #tpu.memory_space<vmem>> -> memref<16xi32, #tpu.memory_space<vmem>>
    %dma_start3A_22 = arith.constant 0 : i32
    %dma_start3A_23 = arith.constant 0 : i32
    %dma_start3A_24 = tpu.memref_slice %arg2[%dma_start3A_22, %dma_start3A_23] : memref<50277x1024xf32, #tpu.memory_space<hbm>> -> memref<50277x1024xf32, #tpu.memory_space<hbm>>
    tpu.enqueue_indirect_dma source(%dma_start3A_24 : memref<50277x1024xf32, #tpu.memory_space<hbm>>) target(%arg8 : memref<16x1024xf32, #tpu.memory_space<vmem>>) offsets(%dma_start3A_21 : memref<16xi32, #tpu.memory_space<vmem>>) semaphore(%arg14 : memref<!tpu.dma_semaphore, #tpu.memory_space<semaphore_mem>>)
    %dma_start3A_25 = arith.constant 48 : i32
    %dma_start3A_26 = tpu.memref_slice %arg5[%dma_start3A_25] : memref<512xi32, #tpu.memory_space<vmem>> -> memref<16xi32, #tpu.memory_space<vmem>>
    %dma_start3A_27 = arith.constant 0 : i32
    %dma_start3A_28 = arith.constant 0 : i32
    %dma_start3A_29 = tpu.memref_slice %arg2[%dma_start3A_27, %dma_start3A_28] : memref<50277x1024xf32, #tpu.memory_space<hbm>> -> memref<50277x1024xf32, #tpu.memory_space<hbm>>
    tpu.enqueue_indirect_dma source(%dma_start3A_29 : memref<50277x1024xf32, #tpu.memory_space<hbm>>) target(%arg9 : memref<16x1024xf32, #tpu.memory_space<vmem>>) offsets(%dma_start3A_26 : memref<16xi32, #tpu.memory_space<vmem>>) semaphore(%arg15 : memref<!tpu.dma_semaphore, #tpu.memory_space<semaphore_mem>>)
    %dma_start3A_30 = arith.constant 64 : i32
    %dma_start3A_31 = tpu.memref_slice %arg5[%dma_start3A_30] : memref<512xi32, #tpu.memory_space<vmem>> -> memref<16xi32, #tpu.memory_space<vmem>>
    %dma_start3A_32 = arith.constant 0 : i32
    %dma_start3A_33 = arith.constant 0 : i32
    %dma_start3A_34 = tpu.memref_slice %arg2[%dma_start3A_32, %dma_start3A_33] : memref<50277x1024xf32, #tpu.memory_space<hbm>> -> memref<50277x1024xf32, #tpu.memory_space<hbm>>
    tpu.enqueue_indirect_dma source(%dma_start3A_34 : memref<50277x1024xf32, #tpu.memory_space<hbm>>) target(%arg10 : memref<16x1024xf32, #tpu.memory_space<vmem>>) offsets(%dma_start3A_31 : memref<16xi32, #tpu.memory_space<vmem>>) semaphore(%arg16 : memref<!tpu.dma_semaphore, #tpu.memory_space<semaphore_mem>>)
    %dma_start3A_35 = arith.constant 80 : i32
    %dma_start3A_36 = tpu.memref_slice %arg5[%dma_start3A_35] : memref<512xi32, #tpu.memory_space<vmem>> -> memref<16xi32, #tpu.memory_space<vmem>>
    %dma_start3A_37 = arith.constant 0 : i32
    %dma_start3A_38 = arith.constant 0 : i32
    %dma_start3A_39 = tpu.memref_slice %arg2[%dma_start3A_37, %dma_start3A_38] : memref<50277x1024xf32, #tpu.memory_space<hbm>> -> memref<50277x1024xf32, #tpu.memory_space<hbm>>
    tpu.enqueue_indirect_dma source(%dma_start3A_39 : memref<50277x1024xf32, #tpu.memory_space<hbm>>) target(%arg11 : memref<16x1024xf32, #tpu.memory_space<vmem>>) offsets(%dma_start3A_36 : memref<16xi32, #tpu.memory_space<vmem>>) semaphore(%arg17 : memref<!tpu.dma_semaphore, #tpu.memory_space<semaphore_mem>>)
    %dma_wait3A = arith.constant 0 : i32
    %dma_wait3A_40 = tpu.memref_slice %arg5[%dma_wait3A] : memref<512xi32, #tpu.memory_space<vmem>> -> memref<16xi32, #tpu.memory_space<vmem>>
    %dma_wait3A_41 = arith.constant 0 : i32
    %dma_wait3A_42 = arith.constant 0 : i32
    %dma_wait3A_43 = tpu.memref_slice %arg2[%dma_wait3A_41, %dma_wait3A_42] : memref<50277x1024xf32, #tpu.memory_space<hbm>> -> memref<50277x1024xf32, #tpu.memory_space<hbm>>
    tpu.wait_indirect_dma semaphore(%arg12 : memref<!tpu.dma_semaphore, #tpu.memory_space<semaphore_mem>>) src(%dma_wait3A_43 : memref<50277x1024xf32, #tpu.memory_space<hbm>>) dst(%arg6 : memref<16x1024xf32, #tpu.memory_space<vmem>>)
    %add3A_44 = arith.constant 0 : i32
    %add3A_45 = arith.addi %mul3A_2, %add3A_44 : i32
    %dma_start3A_46 = arith.constant 0 : i32
    %dma_start3A_47 = tpu.memref_slice %arg4[%add3A_45, %dma_start3A_46] : memref<16384x1024xf32, #tpu.memory_space<hbm>> -> memref<16x1024xf32, #tpu.memory_space<hbm>>
    %dma_start3A_48 = arith.constant 0 : i32
    %dma_start3A_49 = tpu.memref_slice %arg4[%add3A_45, %dma_start3A_48] : memref<16384x1024xf32, #tpu.memory_space<hbm>> -> memref<16x1024xf32, #tpu.memory_space<hbm>>
    tpu.enqueue_dma source(%arg6 : memref<16x1024xf32, #tpu.memory_space<vmem>>) target(%dma_start3A_49 : memref<16x1024xf32, #tpu.memory_space<hbm>>) target_semaphore(%arg18 : memref<!tpu.dma_semaphore, #tpu.memory_space<semaphore_mem>>)
    %dma_wait3A_50 = arith.constant 0 : i32
    %dma_wait3A_51 = tpu.memref_slice %arg4[%add3A_45, %dma_wait3A_50] : memref<16384x1024xf32, #tpu.memory_space<hbm>> -> memref<16x1024xf32, #tpu.memory_space<hbm>>
    %dma_wait3A_52 = arith.constant 0 : i32
    %dma_wait3A_53 = tpu.memref_slice %arg4[%add3A_45, %dma_wait3A_52] : memref<16384x1024xf32, #tpu.memory_space<hbm>> -> memref<16x1024xf32, #tpu.memory_space<hbm>>
    tpu.wait_dma2 semaphore(%arg18 : memref<!tpu.dma_semaphore, #tpu.memory_space<semaphore_mem>>) src(%arg6 : memref<16x1024xf32, #tpu.memory_space<vmem>>) dst(%dma_wait3A_53 : memref<16x1024xf32, #tpu.memory_space<hbm>>)
    %dma_start3A_54 = arith.constant 96 : i32
    %dma_start3A_55 = tpu.memref_slice %arg5[%dma_start3A_54] : memref<512xi32, #tpu.memory_space<vmem>> -> memref<16xi32, #tpu.memory_space<vmem>>
    %dma_start3A_56 = arith.constant 0 : i32
    %dma_start3A_57 = arith.constant 0 : i32
    %dma_start3A_58 = tpu.memref_slice %arg2[%dma_start3A_56, %dma_start3A_57] : memref<50277x1024xf32, #tpu.memory_space<hbm>> -> memref<50277x1024xf32, #tpu.memory_space<hbm>>
    tpu.enqueue_indirect_dma source(%dma_start3A_58 : memref<50277x1024xf32, #tpu.memory_space<hbm>>) target(%arg6 : memref<16x1024xf32, #tpu.memory_space<vmem>>) offsets(%dma_start3A_55 : memref<16xi32, #tpu.memory_space<vmem>>) semaphore(%arg12 : memref<!tpu.dma_semaphore, #tpu.memory_space<semaphore_mem>>)
    %dma_wait3A_59 = arith.constant 16 : i32
    %dma_wait3A_60 = tpu.memref_slice %arg5[%dma_wait3A_59] : memref<512xi32, #tpu.memory_space<vmem>> -> memref<16xi32, #tpu.memory_space<vmem>>
    %dma_wait3A_61 = arith.constant 0 : i32
    %dma_wait3A_62 = arith.constant 0 : i32
    %dma_wait3A_63 = tpu.memref_slice %arg2[%dma_wait3A_61, %dma_wait3A_62] : memref<50277x1024xf32, #tpu.memory_space<hbm>> -> memref<50277x1024xf32, #tpu.memory_space<hbm>>
    tpu.wait_indirect_dma semaphore(%arg13 : memref<!tpu.dma_semaphore, #tpu.memory_space<semaphore_mem>>) src(%dma_wait3A_63 : memref<50277x1024xf32, #tpu.memory_space<hbm>>) dst(%arg7 : memref<16x1024xf32, #tpu.memory_space<vmem>>)
    %add3A_64 = arith.constant 16 : i32
    %add3A_65 = arith.addi %mul3A_2, %add3A_64 : i32
    %dma_start3A_66 = arith.constant 0 : i32
    %dma_start3A_67 = tpu.memref_slice %arg4[%add3A_65, %dma_start3A_66] : memref<16384x1024xf32, #tpu.memory_space<hbm>> -> memref<16x1024xf32, #tpu.memory_space<hbm>>
    %dma_start3A_68 = arith.constant 0 : i32
    %dma_start3A_69 = tpu.memref_slice %arg4[%add3A_65, %dma_start3A_68] : memref<16384x1024xf32, #tpu.memory_space<hbm>> -> memref<16x1024xf32, #tpu.memory_space<hbm>>
    tpu.enqueue_dma source(%arg7 : memref<16x1024xf32, #tpu.memory_space<vmem>>) target(%dma_start3A_69 : memref<16x1024xf32, #tpu.memory_space<hbm>>) target_semaphore(%arg19 : memref<!tpu.dma_semaphore, #tpu.memory_space<semaphore_mem>>)
    %dma_wait3A_70 = arith.constant 0 : i32
    %dma_wait3A_71 = tpu.memref_slice %arg4[%add3A_65, %dma_wait3A_70] : memref<16384x1024xf32, #tpu.memory_space<hbm>> -> memref<16x1024xf32, #tpu.memory_space<hbm>>
    %dma_wait3A_72 = arith.constant 0 : i32
    %dma_wait3A_73 = tpu.memref_slice %arg4[%add3A_65, %dma_wait3A_72] : memref<16384x1024xf32, #tpu.memory_space<hbm>> -> memref<16x1024xf32, #tpu.memory_space<hbm>>
    tpu.wait_dma2 semaphore(%arg19 : memref<!tpu.dma_semaphore, #tpu.memory_space<semaphore_mem>>) src(%arg7 : memref<16x1024xf32, #tpu.memory_space<vmem>>) dst(%dma_wait3A_73 : memref<16x1024xf32, #tpu.memory_space<hbm>>)
    %dma_start3A_74 = arith.constant 112 : i32
    %dma_start3A_75 = tpu.memref_slice %arg5[%dma_start3A_74] : memref<512xi32, #tpu.memory_space<vmem>> -> memref<16xi32, #tpu.memory_space<vmem>>
    %dma_start3A_76 = arith.constant 0 : i32
    %dma_start3A_77 = arith.constant 0 : i32
    %dma_start3A_78 = tpu.memref_slice %arg2[%dma_start3A_76, %dma_start3A_77] : memref<50277x1024xf32, #tpu.memory_space<hbm>> -> memref<50277x1024xf32, #tpu.memory_space<hbm>>
    tpu.enqueue_indirect_dma source(%dma_start3A_78 : memref<50277x1024xf32, #tpu.memory_space<hbm>>) target(%arg7 : memref<16x1024xf32, #tpu.memory_space<vmem>>) offsets(%dma_start3A_75 : memref<16xi32, #tpu.memory_space<vmem>>) semaphore(%arg13 : memref<!tpu.dma_semaphore, #tpu.memory_space<semaphore_mem>>)
    %dma_wait3A_79 = arith.constant 32 : i32
    %dma_wait3A_80 = tpu.memref_slice %arg5[%dma_wait3A_79] : memref<512xi32, #tpu.memory_space<vmem>> -> memref<16xi32, #tpu.memory_space<vmem>>
    %dma_wait3A_81 = arith.constant 0 : i32
    %dma_wait3A_82 = arith.constant 0 : i32
    %dma_wait3A_83 = tpu.memref_slice %arg2[%dma_wait3A_81, %dma_wait3A_82] : memref<50277x1024xf32, #tpu.memory_space<hbm>> -> memref<50277x1024xf32, #tpu.memory_space<hbm>>
    tpu.wait_indirect_dma semaphore(%arg14 : memref<!tpu.dma_semaphore, #tpu.memory_space<semaphore_mem>>) src(%dma_wait3A_83 : memref<50277x1024xf32, #tpu.memory_space<hbm>>) dst(%arg8 : memref<16x1024xf32, #tpu.memory_space<vmem>>)
    %add3A_84 = arith.constant 32 : i32
    %add3A_85 = arith.addi %mul3A_2, %add3A_84 : i32
    %dma_start3A_86 = arith.constant 0 : i32
    %dma_start3A_87 = tpu.memref_slice %arg4[%add3A_85, %dma_start3A_86] : memref<16384x1024xf32, #tpu.memory_space<hbm>> -> memref<16x1024xf32, #tpu.memory_space<hbm>>
    %dma_start3A_88 = arith.constant 0 : i32
    %dma_start3A_89 = tpu.memref_slice %arg4[%add3A_85, %dma_start3A_88] : memref<16384x1024xf32, #tpu.memory_space<hbm>> -> memref<16x1024xf32, #tpu.memory_space<hbm>>
    tpu.enqueue_dma source(%arg8 : memref<16x1024xf32, #tpu.memory_space<vmem>>) target(%dma_start3A_89 : memref<16x1024xf32, #tpu.memory_space<hbm>>) target_semaphore(%arg20 : memref<!tpu.dma_semaphore, #tpu.memory_space<semaphore_mem>>)
    %dma_wait3A_90 = arith.constant 0 : i32
    %dma_wait3A_91 = tpu.memref_slice %arg4[%add3A_85, %dma_wait3A_90] : memref<16384x1024xf32, #tpu.memory_space<hbm>> -> memref<16x1024xf32, #tpu.memory_space<hbm>>
    %dma_wait3A_92 = arith.constant 0 : i32
    %dma_wait3A_93 = tpu.memref_slice %arg4[%add3A_85, %dma_wait3A_92] : memref<16384x1024xf32, #tpu.memory_space<hbm>> -> memref<16x1024xf32, #tpu.memory_space<hbm>>
    tpu.wait_dma2 semaphore(%arg20 : memref<!tpu.dma_semaphore, #tpu.memory_space<semaphore_mem>>) src(%arg8 : memref<16x1024xf32, #tpu.memory_space<vmem>>) dst(%dma_wait3A_93 : memref<16x1024xf32, #tpu.memory_space<hbm>>)
    %dma_wait3A_94 = arith.constant 128 : i32
    %dma_wait3A_95 = tpu.memref_slice %arg5[%dma_wait3A_94] : memref<512xi32, #tpu.memory_space<vmem>> -> memref<384xi32, #tpu.memory_space<vmem>>
    %dma_wait3A_96 = tpu.memref_slice %arg3[%add3A_4] : memref<16384xi32, #tpu.memory_space<hbm>> -> memref<384xi32, #tpu.memory_space<hbm>>
    %dma_wait3A_97 = arith.constant 128 : i32
    %dma_wait3A_98 = tpu.memref_slice %arg5[%dma_wait3A_97] : memref<512xi32, #tpu.memory_space<vmem>> -> memref<384xi32, #tpu.memory_space<vmem>>
    %dma_wait3A_99 = tpu.memref_slice %arg3[%add3A_4] : memref<16384xi32, #tpu.memory_space<hbm>> -> memref<384xi32, #tpu.memory_space<hbm>>
    tpu.wait_dma2 semaphore(%arg24 : memref<!tpu.dma_semaphore, #tpu.memory_space<semaphore_mem>>) src(%dma_wait3A_99 : memref<384xi32, #tpu.memory_space<hbm>>) dst(%dma_wait3A_98 : memref<384xi32, #tpu.memory_space<vmem>>)
    %dma_start3A_100 = arith.constant 128 : i32
    %dma_start3A_101 = tpu.memref_slice %arg5[%dma_start3A_100] : memref<512xi32, #tpu.memory_space<vmem>> -> memref<16xi32, #tpu.memory_space<vmem>>
    %dma_start3A_102 = arith.constant 0 : i32
    %dma_start3A_103 = arith.constant 0 : i32
    %dma_start3A_104 = tpu.memref_slice %arg2[%dma_start3A_102, %dma_start3A_103] : memref<50277x1024xf32, #tpu.memory_space<hbm>> -> memref<50277x1024xf32, #tpu.memory_space<hbm>>
    tpu.enqueue_indirect_dma source(%dma_start3A_104 : memref<50277x1024xf32, #tpu.memory_space<hbm>>) target(%arg8 : memref<16x1024xf32, #tpu.memory_space<vmem>>) offsets(%dma_start3A_101 : memref<16xi32, #tpu.memory_space<vmem>>) semaphore(%arg14 : memref<!tpu.dma_semaphore, #tpu.memory_space<semaphore_mem>>)
    %dma_wait3A_105 = arith.constant 48 : i32
    %dma_wait3A_106 = tpu.memref_slice %arg5[%dma_wait3A_105] : memref<512xi32, #tpu.memory_space<vmem>> -> memref<16xi32, #tpu.memory_space<vmem>>
    %dma_wait3A_107 = arith.constant 0 : i32
    %dma_wait3A_108 = arith.constant 0 : i32
    %dma_wait3A_109 = tpu.memref_slice %arg2[%dma_wait3A_107, %dma_wait3A_108] : memref<50277x1024xf32, #tpu.memory_space<hbm>> -> memref<50277x1024xf32, #tpu.memory_space<hbm>>
    tpu.wait_indirect_dma semaphore(%arg15 : memref<!tpu.dma_semaphore, #tpu.memory_space<semaphore_mem>>) src(%dma_wait3A_109 : memref<50277x1024xf32, #tpu.memory_space<hbm>>) dst(%arg9 : memref<16x1024xf32, #tpu.memory_space<vmem>>)
    %add3A_110 = arith.constant 48 : i32
    %add3A_111 = arith.addi %mul3A_2, %add3A_110 : i32
    %dma_start3A_112 = arith.constant 0 : i32
    %dma_start3A_113 = tpu.memref_slice %arg4[%add3A_111, %dma_start3A_112] : memref<16384x1024xf32, #tpu.memory_space<hbm>> -> memref<16x1024xf32, #tpu.memory_space<hbm>>
    %dma_start3A_114 = arith.constant 0 : i32
    %dma_start3A_115 = tpu.memref_slice %arg4[%add3A_111, %dma_start3A_114] : memref<16384x1024xf32, #tpu.memory_space<hbm>> -> memref<16x1024xf32, #tpu.memory_space<hbm>>
    tpu.enqueue_dma source(%arg9 : memref<16x1024xf32, #tpu.memory_space<vmem>>) target(%dma_start3A_115 : memref<16x1024xf32, #tpu.memory_space<hbm>>) target_semaphore(%arg21 : memref<!tpu.dma_semaphore, #tpu.memory_space<semaphore_mem>>)
    %dma_wait3A_116 = arith.constant 0 : i32
    %dma_wait3A_117 = tpu.memref_slice %arg4[%add3A_111, %dma_wait3A_116] : memref<16384x1024xf32, #tpu.memory_space<hbm>> -> memref<16x1024xf32, #tpu.memory_space<hbm>>
    %dma_wait3A_118 = arith.constant 0 : i32
    %dma_wait3A_119 = tpu.memref_slice %arg4[%add3A_111, %dma_wait3A_118] : memref<16384x1024xf32, #tpu.memory_space<hbm>> -> memref<16x1024xf32, #tpu.memory_space<hbm>>
    tpu.wait_dma2 semaphore(%arg21 : memref<!tpu.dma_semaphore, #tpu.memory_space<semaphore_mem>>) src(%arg9 : memref<16x1024xf32, #tpu.memory_space<vmem>>) dst(%dma_wait3A_119 : memref<16x1024xf32, #tpu.memory_space<hbm>>)
    %dma_start3A_120 = arith.constant 144 : i32
    %dma_start3A_121 = tpu.memref_slice %arg5[%dma_start3A_120] : memref<512xi32, #tpu.memory_space<vmem>> -> memref<16xi32, #tpu.memory_space<vmem>>
    %dma_start3A_122 = arith.constant 0 : i32
    %dma_start3A_123 = arith.constant 0 : i32
    %dma_start3A_124 = tpu.memref_slice %arg2[%dma_start3A_122, %dma_start3A_123] : memref<50277x1024xf32, #tpu.memory_space<hbm>> -> memref<50277x1024xf32, #tpu.memory_space<hbm>>
    tpu.enqueue_indirect_dma source(%dma_start3A_124 : memref<50277x1024xf32, #tpu.memory_space<hbm>>) target(%arg9 : memref<16x1024xf32, #tpu.memory_space<vmem>>) offsets(%dma_start3A_121 : memref<16xi32, #tpu.memory_space<vmem>>) semaphore(%arg15 : memref<!tpu.dma_semaphore, #tpu.memory_space<semaphore_mem>>)
    %dma_wait3A_125 = arith.constant 64 : i32
    %dma_wait3A_126 = tpu.memref_slice %arg5[%dma_wait3A_125] : memref<512xi32, #tpu.memory_space<vmem>> -> memref<16xi32, #tpu.memory_space<vmem>>
    %dma_wait3A_127 = arith.constant 0 : i32
    %dma_wait3A_128 = arith.constant 0 : i32
    %dma_wait3A_129 = tpu.memref_slice %arg2[%dma_wait3A_127, %dma_wait3A_128] : memref<50277x1024xf32, #tpu.memory_space<hbm>> -> memref<50277x1024xf32, #tpu.memory_space<hbm>>
    tpu.wait_indirect_dma semaphore(%arg16 : memref<!tpu.dma_semaphore, #tpu.memory_space<semaphore_mem>>) src(%dma_wait3A_129 : memref<50277x1024xf32, #tpu.memory_space<hbm>>) dst(%arg10 : memref<16x1024xf32, #tpu.memory_space<vmem>>)
    %add3A_130 = arith.constant 64 : i32
    %add3A_131 = arith.addi %mul3A_2, %add3A_130 : i32
    %dma_start3A_132 = arith.constant 0 : i32
    %dma_start3A_133 = tpu.memref_slice %arg4[%add3A_131, %dma_start3A_132] : memref<16384x1024xf32, #tpu.memory_space<hbm>> -> memref<16x1024xf32, #tpu.memory_space<hbm>>
    %dma_start3A_134 = arith.constant 0 : i32
    %dma_start3A_135 = tpu.memref_slice %arg4[%add3A_131, %dma_start3A_134] : memref<16384x1024xf32, #tpu.memory_space<hbm>> -> memref<16x1024xf32, #tpu.memory_space<hbm>>
    tpu.enqueue_dma source(%arg10 : memref<16x1024xf32, #tpu.memory_space<vmem>>) target(%dma_start3A_135 : memref<16x1024xf32, #tpu.memory_space<hbm>>) target_semaphore(%arg22 : memref<!tpu.dma_semaphore, #tpu.memory_space<semaphore_mem>>)
    %dma_wait3A_136 = arith.constant 0 : i32
    %dma_wait3A_137 = tpu.memref_slice %arg4[%add3A_131, %dma_wait3A_136] : memref<16384x1024xf32, #tpu.memory_space<hbm>> -> memref<16x1024xf32, #tpu.memory_space<hbm>>
    %dma_wait3A_138 = arith.constant 0 : i32
    %dma_wait3A_139 = tpu.memref_slice %arg4[%add3A_131, %dma_wait3A_138] : memref<16384x1024xf32, #tpu.memory_space<hbm>> -> memref<16x1024xf32, #tpu.memory_space<hbm>>
    tpu.wait_dma2 semaphore(%arg22 : memref<!tpu.dma_semaphore, #tpu.memory_space<semaphore_mem>>) src(%arg10 : memref<16x1024xf32, #tpu.memory_space<vmem>>) dst(%dma_wait3A_139 : memref<16x1024xf32, #tpu.memory_space<hbm>>)
    %dma_start3A_140 = arith.constant 160 : i32
    %dma_start3A_141 = tpu.memref_slice %arg5[%dma_start3A_140] : memref<512xi32, #tpu.memory_space<vmem>> -> memref<16xi32, #tpu.memory_space<vmem>>
    %dma_start3A_142 = arith.constant 0 : i32
    %dma_start3A_143 = arith.constant 0 : i32
    %dma_start3A_144 = tpu.memref_slice %arg2[%dma_start3A_142, %dma_start3A_143] : memref<50277x1024xf32, #tpu.memory_space<hbm>> -> memref<50277x1024xf32, #tpu.memory_space<hbm>>
    tpu.enqueue_indirect_dma source(%dma_start3A_144 : memref<50277x1024xf32, #tpu.memory_space<hbm>>) target(%arg10 : memref<16x1024xf32, #tpu.memory_space<vmem>>) offsets(%dma_start3A_141 : memref<16xi32, #tpu.memory_space<vmem>>) semaphore(%arg16 : memref<!tpu.dma_semaphore, #tpu.memory_space<semaphore_mem>>)
    %dma_wait3A_145 = arith.constant 80 : i32
    %dma_wait3A_146 = tpu.memref_slice %arg5[%dma_wait3A_145] : memref<512xi32, #tpu.memory_space<vmem>> -> memref<16xi32, #tpu.memory_space<vmem>>
    %dma_wait3A_147 = arith.constant 0 : i32
    %dma_wait3A_148 = arith.constant 0 : i32
    %dma_wait3A_149 = tpu.memref_slice %arg2[%dma_wait3A_147, %dma_wait3A_148] : memref<50277x1024xf32, #tpu.memory_space<hbm>> -> memref<50277x1024xf32, #tpu.memory_space<hbm>>
    tpu.wait_indirect_dma semaphore(%arg17 : memref<!tpu.dma_semaphore, #tpu.memory_space<semaphore_mem>>) src(%dma_wait3A_149 : memref<50277x1024xf32, #tpu.memory_space<hbm>>) dst(%arg11 : memref<16x1024xf32, #tpu.memory_space<vmem>>)
    %add3A_150 = arith.constant 80 : i32
    %add3A_151 = arith.addi %mul3A_2, %add3A_150 : i32
    %dma_start3A_152 = arith.constant 0 : i32
    %dma_start3A_153 = tpu.memref_slice %arg4[%add3A_151, %dma_start3A_152] : memref<16384x1024xf32, #tpu.memory_space<hbm>> -> memref<16x1024xf32, #tpu.memory_space<hbm>>
    %dma_start3A_154 = arith.constant 0 : i32
    %dma_start3A_155 = tpu.memref_slice %arg4[%add3A_151, %dma_start3A_154] : memref<16384x1024xf32, #tpu.memory_space<hbm>> -> memref<16x1024xf32, #tpu.memory_space<hbm>>
    tpu.enqueue_dma source(%arg11 : memref<16x1024xf32, #tpu.memory_space<vmem>>) target(%dma_start3A_155 : memref<16x1024xf32, #tpu.memory_space<hbm>>) target_semaphore(%arg23 : memref<!tpu.dma_semaphore, #tpu.memory_space<semaphore_mem>>)
    %dma_wait3A_156 = arith.constant 0 : i32
    %dma_wait3A_157 = tpu.memref_slice %arg4[%add3A_151, %dma_wait3A_156] : memref<16384x1024xf32, #tpu.memory_space<hbm>> -> memref<16x1024xf32, #tpu.memory_space<hbm>>
    %dma_wait3A_158 = arith.constant 0 : i32
    %dma_wait3A_159 = tpu.memref_slice %arg4[%add3A_151, %dma_wait3A_158] : memref<16384x1024xf32, #tpu.memory_space<hbm>> -> memref<16x1024xf32, #tpu.memory_space<hbm>>
    tpu.wait_dma2 semaphore(%arg23 : memref<!tpu.dma_semaphore, #tpu.memory_space<semaphore_mem>>) src(%arg11 : memref<16x1024xf32, #tpu.memory_space<vmem>>) dst(%dma_wait3A_159 : memref<16x1024xf32, #tpu.memory_space<hbm>>)
    %dma_start3A_160 = arith.constant 176 : i32
    %dma_start3A_161 = tpu.memref_slice %arg5[%dma_start3A_160] : memref<512xi32, #tpu.memory_space<vmem>> -> memref<16xi32, #tpu.memory_space<vmem>>
    %dma_start3A_162 = arith.constant 0 : i32
    %dma_start3A_163 = arith.constant 0 : i32
    %dma_start3A_164 = tpu.memref_slice %arg2[%dma_start3A_162, %dma_start3A_163] : memref<50277x1024xf32, #tpu.memory_space<hbm>> -> memref<50277x1024xf32, #tpu.memory_space<hbm>>
    tpu.enqueue_indirect_dma source(%dma_start3A_164 : memref<50277x1024xf32, #tpu.memory_space<hbm>>) target(%arg11 : memref<16x1024xf32, #tpu.memory_space<vmem>>) offsets(%dma_start3A_161 : memref<16xi32, #tpu.memory_space<vmem>>) semaphore(%arg17 : memref<!tpu.dma_semaphore, #tpu.memory_space<semaphore_mem>>)
    %dma_wait3A_165 = arith.constant 96 : i32
    %dma_wait3A_166 = tpu.memref_slice %arg5[%dma_wait3A_165] : memref<512xi32, #tpu.memory_space<vmem>> -> memref<16xi32, #tpu.memory_space<vmem>>
    %dma_wait3A_167 = arith.constant 0 : i32
    %dma_wait3A_168 = arith.constant 0 : i32
    %dma_wait3A_169 = tpu.memref_slice %arg2[%dma_wait3A_167, %dma_wait3A_168] : memref<50277x1024xf32, #tpu.memory_space<hbm>> -> memref<50277x1024xf32, #tpu.memory_space<hbm>>
    tpu.wait_indirect_dma semaphore(%arg12 : memref<!tpu.dma_semaphore, #tpu.memory_space<semaphore_mem>>) src(%dma_wait3A_169 : memref<50277x1024xf32, #tpu.memory_space<hbm>>) dst(%arg6 : memref<16x1024xf32, #tpu.memory_space<vmem>>)
    %add3A_170 = arith.constant 96 : i32
    %add3A_171 = arith.addi %mul3A_2, %add3A_170 : i32
    %dma_start3A_172 = arith.constant 0 : i32
    %dma_start3A_173 = tpu.memref_slice %arg4[%add3A_171, %dma_start3A_172] : memref<16384x1024xf32, #tpu.memory_space<hbm>> -> memref<16x1024xf32, #tpu.memory_space<hbm>>
    %dma_start3A_174 = arith.constant 0 : i32
    %dma_start3A_175 = tpu.memref_slice %arg4[%add3A_171, %dma_start3A_174] : memref<16384x1024xf32, #tpu.memory_space<hbm>> -> memref<16x1024xf32, #tpu.memory_space<hbm>>
    tpu.enqueue_dma source(%arg6 : memref<16x1024xf32, #tpu.memory_space<vmem>>) target(%dma_start3A_175 : memref<16x1024xf32, #tpu.memory_space<hbm>>) target_semaphore(%arg18 : memref<!tpu.dma_semaphore, #tpu.memory_space<semaphore_mem>>)
    %dma_wait3A_176 = arith.constant 0 : i32
    %dma_wait3A_177 = tpu.memref_slice %arg4[%add3A_171, %dma_wait3A_176] : memref<16384x1024xf32, #tpu.memory_space<hbm>> -> memref<16x1024xf32, #tpu.memory_space<hbm>>
    %dma_wait3A_178 = arith.constant 0 : i32
    %dma_wait3A_179 = tpu.memref_slice %arg4[%add3A_171, %dma_wait3A_178] : memref<16384x1024xf32, #tpu.memory_space<hbm>> -> memref<16x1024xf32, #tpu.memory_space<hbm>>
    tpu.wait_dma2 semaphore(%arg18 : memref<!tpu.dma_semaphore, #tpu.memory_space<semaphore_mem>>) src(%arg6 : memref<16x1024xf32, #tpu.memory_space<vmem>>) dst(%dma_wait3A_179 : memref<16x1024xf32, #tpu.memory_space<hbm>>)
    %dma_start3A_180 = arith.constant 192 : i32
    %dma_start3A_181 = tpu.memref_slice %arg5[%dma_start3A_180] : memref<512xi32, #tpu.memory_space<vmem>> -> memref<16xi32, #tpu.memory_space<vmem>>
    %dma_start3A_182 = arith.constant 0 : i32
    %dma_start3A_183 = arith.constant 0 : i32
    %dma_start3A_184 = tpu.memref_slice %arg2[%dma_start3A_182, %dma_start3A_183] : memref<50277x1024xf32, #tpu.memory_space<hbm>> -> memref<50277x1024xf32, #tpu.memory_space<hbm>>
    tpu.enqueue_indirect_dma source(%dma_start3A_184 : memref<50277x1024xf32, #tpu.memory_space<hbm>>) target(%arg6 : memref<16x1024xf32, #tpu.memory_space<vmem>>) offsets(%dma_start3A_181 : memref<16xi32, #tpu.memory_space<vmem>>) semaphore(%arg12 : memref<!tpu.dma_semaphore, #tpu.memory_space<semaphore_mem>>)
    %dma_wait3A_185 = arith.constant 112 : i32
    %dma_wait3A_186 = tpu.memref_slice %arg5[%dma_wait3A_185] : memref<512xi32, #tpu.memory_space<vmem>> -> memref<16xi32, #tpu.memory_space<vmem>>
    %dma_wait3A_187 = arith.constant 0 : i32
    %dma_wait3A_188 = arith.constant 0 : i32
    %dma_wait3A_189 = tpu.memref_slice %arg2[%dma_wait3A_187, %dma_wait3A_188] : memref<50277x1024xf32, #tpu.memory_space<hbm>> -> memref<50277x1024xf32, #tpu.memory_space<hbm>>
    tpu.wait_indirect_dma semaphore(%arg13 : memref<!tpu.dma_semaphore, #tpu.memory_space<semaphore_mem>>) src(%dma_wait3A_189 : memref<50277x1024xf32, #tpu.memory_space<hbm>>) dst(%arg7 : memref<16x1024xf32, #tpu.memory_space<vmem>>)
    %add3A_190 = arith.constant 112 : i32
    %add3A_191 = arith.addi %mul3A_2, %add3A_190 : i32
    %dma_start3A_192 = arith.constant 0 : i32
    %dma_start3A_193 = tpu.memref_slice %arg4[%add3A_191, %dma_start3A_192] : memref<16384x1024xf32, #tpu.memory_space<hbm>> -> memref<16x1024xf32, #tpu.memory_space<hbm>>
    %dma_start3A_194 = arith.constant 0 : i32
    %dma_start3A_195 = tpu.memref_slice %arg4[%add3A_191, %dma_start3A_194] : memref<16384x1024xf32, #tpu.memory_space<hbm>> -> memref<16x1024xf32, #tpu.memory_space<hbm>>
    tpu.enqueue_dma source(%arg7 : memref<16x1024xf32, #tpu.memory_space<vmem>>) target(%dma_start3A_195 : memref<16x1024xf32, #tpu.memory_space<hbm>>) target_semaphore(%arg19 : memref<!tpu.dma_semaphore, #tpu.memory_space<semaphore_mem>>)
    %dma_wait3A_196 = arith.constant 0 : i32
    %dma_wait3A_197 = tpu.memref_slice %arg4[%add3A_191, %dma_wait3A_196] : memref<16384x1024xf32, #tpu.memory_space<hbm>> -> memref<16x1024xf32, #tpu.memory_space<hbm>>
    %dma_wait3A_198 = arith.constant 0 : i32
    %dma_wait3A_199 = tpu.memref_slice %arg4[%add3A_191, %dma_wait3A_198] : memref<16384x1024xf32, #tpu.memory_space<hbm>> -> memref<16x1024xf32, #tpu.memory_space<hbm>>
    tpu.wait_dma2 semaphore(%arg19 : memref<!tpu.dma_semaphore, #tpu.memory_space<semaphore_mem>>) src(%arg7 : memref<16x1024xf32, #tpu.memory_space<vmem>>) dst(%dma_wait3A_199 : memref<16x1024xf32, #tpu.memory_space<hbm>>)
    %dma_start3A_200 = arith.constant 208 : i32
    %dma_start3A_201 = tpu.memref_slice %arg5[%dma_start3A_200] : memref<512xi32, #tpu.memory_space<vmem>> -> memref<16xi32, #tpu.memory_space<vmem>>
    %dma_start3A_202 = arith.constant 0 : i32
    %dma_start3A_203 = arith.constant 0 : i32
    %dma_start3A_204 = tpu.memref_slice %arg2[%dma_start3A_202, %dma_start3A_203] : memref<50277x1024xf32, #tpu.memory_space<hbm>> -> memref<50277x1024xf32, #tpu.memory_space<hbm>>
    tpu.enqueue_indirect_dma source(%dma_start3A_204 : memref<50277x1024xf32, #tpu.memory_space<hbm>>) target(%arg7 : memref<16x1024xf32, #tpu.memory_space<vmem>>) offsets(%dma_start3A_201 : memref<16xi32, #tpu.memory_space<vmem>>) semaphore(%arg13 : memref<!tpu.dma_semaphore, #tpu.memory_space<semaphore_mem>>)
    %dma_wait3A_205 = arith.constant 128 : i32
    %dma_wait3A_206 = tpu.memref_slice %arg5[%dma_wait3A_205] : memref<512xi32, #tpu.memory_space<vmem>> -> memref<16xi32, #tpu.memory_space<vmem>>
    %dma_wait3A_207 = arith.constant 0 : i32
    %dma_wait3A_208 = arith.constant 0 : i32
    %dma_wait3A_209 = tpu.memref_slice %arg2[%dma_wait3A_207, %dma_wait3A_208] : memref<50277x1024xf32, #tpu.memory_space<hbm>> -> memref<50277x1024xf32, #tpu.memory_space<hbm>>
    tpu.wait_indirect_dma semaphore(%arg14 : memref<!tpu.dma_semaphore, #tpu.memory_space<semaphore_mem>>) src(%dma_wait3A_209 : memref<50277x1024xf32, #tpu.memory_space<hbm>>) dst(%arg8 : memref<16x1024xf32, #tpu.memory_space<vmem>>)
    %add3A_210 = arith.constant 128 : i32
    %add3A_211 = arith.addi %mul3A_2, %add3A_210 : i32
    %dma_start3A_212 = arith.constant 0 : i32
    %dma_start3A_213 = tpu.memref_slice %arg4[%add3A_211, %dma_start3A_212] : memref<16384x1024xf32, #tpu.memory_space<hbm>> -> memref<16x1024xf32, #tpu.memory_space<hbm>>
    %dma_start3A_214 = arith.constant 0 : i32
    %dma_start3A_215 = tpu.memref_slice %arg4[%add3A_211, %dma_start3A_214] : memref<16384x1024xf32, #tpu.memory_space<hbm>> -> memref<16x1024xf32, #tpu.memory_space<hbm>>
    tpu.enqueue_dma source(%arg8 : memref<16x1024xf32, #tpu.memory_space<vmem>>) target(%dma_start3A_215 : memref<16x1024xf32, #tpu.memory_space<hbm>>) target_semaphore(%arg20 : memref<!tpu.dma_semaphore, #tpu.memory_space<semaphore_mem>>)
    %dma_wait3A_216 = arith.constant 0 : i32
    %dma_wait3A_217 = tpu.memref_slice %arg4[%add3A_211, %dma_wait3A_216] : memref<16384x1024xf32, #tpu.memory_space<hbm>> -> memref<16x1024xf32, #tpu.memory_space<hbm>>
    %dma_wait3A_218 = arith.constant 0 : i32
    %dma_wait3A_219 = tpu.memref_slice %arg4[%add3A_211, %dma_wait3A_218] : memref<16384x1024xf32, #tpu.memory_space<hbm>> -> memref<16x1024xf32, #tpu.memory_space<hbm>>
    tpu.wait_dma2 semaphore(%arg20 : memref<!tpu.dma_semaphore, #tpu.memory_space<semaphore_mem>>) src(%arg8 : memref<16x1024xf32, #tpu.memory_space<vmem>>) dst(%dma_wait3A_219 : memref<16x1024xf32, #tpu.memory_space<hbm>>)
    %dma_start3A_220 = arith.constant 224 : i32
    %dma_start3A_221 = tpu.memref_slice %arg5[%dma_start3A_220] : memref<512xi32, #tpu.memory_space<vmem>> -> memref<16xi32, #tpu.memory_space<vmem>>
    %dma_start3A_222 = arith.constant 0 : i32
    %dma_start3A_223 = arith.constant 0 : i32
    %dma_start3A_224 = tpu.memref_slice %arg2[%dma_start3A_222, %dma_start3A_223] : memref<50277x1024xf32, #tpu.memory_space<hbm>> -> memref<50277x1024xf32, #tpu.memory_space<hbm>>
    tpu.enqueue_indirect_dma source(%dma_start3A_224 : memref<50277x1024xf32, #tpu.memory_space<hbm>>) target(%arg8 : memref<16x1024xf32, #tpu.memory_space<vmem>>) offsets(%dma_start3A_221 : memref<16xi32, #tpu.memory_space<vmem>>) semaphore(%arg14 : memref<!tpu.dma_semaphore, #tpu.memory_space<semaphore_mem>>)
    %dma_wait3A_225 = arith.constant 144 : i32
    %dma_wait3A_226 = tpu.memref_slice %arg5[%dma_wait3A_225] : memref<512xi32, #tpu.memory_space<vmem>> -> memref<16xi32, #tpu.memory_space<vmem>>
    %dma_wait3A_227 = arith.constant 0 : i32
    %dma_wait3A_228 = arith.constant 0 : i32
    %dma_wait3A_229 = tpu.memref_slice %arg2[%dma_wait3A_227, %dma_wait3A_228] : memref<50277x1024xf32, #tpu.memory_space<hbm>> -> memref<50277x1024xf32, #tpu.memory_space<hbm>>
    tpu.wait_indirect_dma semaphore(%arg15 : memref<!tpu.dma_semaphore, #tpu.memory_space<semaphore_mem>>) src(%dma_wait3A_229 : memref<50277x1024xf32, #tpu.memory_space<hbm>>) dst(%arg9 : memref<16x1024xf32, #tpu.memory_space<vmem>>)
    %add3A_230 = arith.constant 144 : i32
    %add3A_231 = arith.addi %mul3A_2, %add3A_230 : i32
    %dma_start3A_232 = arith.constant 0 : i32
    %dma_start3A_233 = tpu.memref_slice %arg4[%add3A_231, %dma_start3A_232] : memref<16384x1024xf32, #tpu.memory_space<hbm>> -> memref<16x1024xf32, #tpu.memory_space<hbm>>
    %dma_start3A_234 = arith.constant 0 : i32
    %dma_start3A_235 = tpu.memref_slice %arg4[%add3A_231, %dma_start3A_234] : memref<16384x1024xf32, #tpu.memory_space<hbm>> -> memref<16x1024xf32, #tpu.memory_space<hbm>>
    tpu.enqueue_dma source(%arg9 : memref<16x1024xf32, #tpu.memory_space<vmem>>) target(%dma_start3A_235 : memref<16x1024xf32, #tpu.memory_space<hbm>>) target_semaphore(%arg21 : memref<!tpu.dma_semaphore, #tpu.memory_space<semaphore_mem>>)
    %dma_wait3A_236 = arith.constant 0 : i32
    %dma_wait3A_237 = tpu.memref_slice %arg4[%add3A_231, %dma_wait3A_236] : memref<16384x1024xf32, #tpu.memory_space<hbm>> -> memref<16x1024xf32, #tpu.memory_space<hbm>>
    %dma_wait3A_238 = arith.constant 0 : i32
    %dma_wait3A_239 = tpu.memref_slice %arg4[%add3A_231, %dma_wait3A_238] : memref<16384x1024xf32, #tpu.memory_space<hbm>> -> memref<16x1024xf32, #tpu.memory_space<hbm>>
    tpu.wait_dma2 semaphore(%arg21 : memref<!tpu.dma_semaphore, #tpu.memory_space<semaphore_mem>>) src(%arg9 : memref<16x1024xf32, #tpu.memory_space<vmem>>) dst(%dma_wait3A_239 : memref<16x1024xf32, #tpu.memory_space<hbm>>)
    %dma_start3A_240 = arith.constant 240 : i32
    %dma_start3A_241 = tpu.memref_slice %arg5[%dma_start3A_240] : memref<512xi32, #tpu.memory_space<vmem>> -> memref<16xi32, #tpu.memory_space<vmem>>
    %dma_start3A_242 = arith.constant 0 : i32
    %dma_start3A_243 = arith.constant 0 : i32
    %dma_start3A_244 = tpu.memref_slice %arg2[%dma_start3A_242, %dma_start3A_243] : memref<50277x1024xf32, #tpu.memory_space<hbm>> -> memref<50277x1024xf32, #tpu.memory_space<hbm>>
    tpu.enqueue_indirect_dma source(%dma_start3A_244 : memref<50277x1024xf32, #tpu.memory_space<hbm>>) target(%arg9 : memref<16x1024xf32, #tpu.memory_space<vmem>>) offsets(%dma_start3A_241 : memref<16xi32, #tpu.memory_space<vmem>>) semaphore(%arg15 : memref<!tpu.dma_semaphore, #tpu.memory_space<semaphore_mem>>)
    %dma_wait3A_245 = arith.constant 160 : i32
    %dma_wait3A_246 = tpu.memref_slice %arg5[%dma_wait3A_245] : memref<512xi32, #tpu.memory_space<vmem>> -> memref<16xi32, #tpu.memory_space<vmem>>
    %dma_wait3A_247 = arith.constant 0 : i32
    %dma_wait3A_248 = arith.constant 0 : i32
    %dma_wait3A_249 = tpu.memref_slice %arg2[%dma_wait3A_247, %dma_wait3A_248] : memref<50277x1024xf32, #tpu.memory_space<hbm>> -> memref<50277x1024xf32, #tpu.memory_space<hbm>>
    tpu.wait_indirect_dma semaphore(%arg16 : memref<!tpu.dma_semaphore, #tpu.memory_space<semaphore_mem>>) src(%dma_wait3A_249 : memref<50277x1024xf32, #tpu.memory_space<hbm>>) dst(%arg10 : memref<16x1024xf32, #tpu.memory_space<vmem>>)
    %add3A_250 = arith.constant 160 : i32
    %add3A_251 = arith.addi %mul3A_2, %add3A_250 : i32
    %dma_start3A_252 = arith.constant 0 : i32
    %dma_start3A_253 = tpu.memref_slice %arg4[%add3A_251, %dma_start3A_252] : memref<16384x1024xf32, #tpu.memory_space<hbm>> -> memref<16x1024xf32, #tpu.memory_space<hbm>>
    %dma_start3A_254 = arith.constant 0 : i32
    %dma_start3A_255 = tpu.memref_slice %arg4[%add3A_251, %dma_start3A_254] : memref<16384x1024xf32, #tpu.memory_space<hbm>> -> memref<16x1024xf32, #tpu.memory_space<hbm>>
    tpu.enqueue_dma source(%arg10 : memref<16x1024xf32, #tpu.memory_space<vmem>>) target(%dma_start3A_255 : memref<16x1024xf32, #tpu.memory_space<hbm>>) target_semaphore(%arg22 : memref<!tpu.dma_semaphore, #tpu.memory_space<semaphore_mem>>)
    %dma_wait3A_256 = arith.constant 0 : i32
    %dma_wait3A_257 = tpu.memref_slice %arg4[%add3A_251, %dma_wait3A_256] : memref<16384x1024xf32, #tpu.memory_space<hbm>> -> memref<16x1024xf32, #tpu.memory_space<hbm>>
    %dma_wait3A_258 = arith.constant 0 : i32
    %dma_wait3A_259 = tpu.memref_slice %arg4[%add3A_251, %dma_wait3A_258] : memref<16384x1024xf32, #tpu.memory_space<hbm>> -> memref<16x1024xf32, #tpu.memory_space<hbm>>
    tpu.wait_dma2 semaphore(%arg22 : memref<!tpu.dma_semaphore, #tpu.memory_space<semaphore_mem>>) src(%arg10 : memref<16x1024xf32, #tpu.memory_space<vmem>>) dst(%dma_wait3A_259 : memref<16x1024xf32, #tpu.memory_space<hbm>>)
    %dma_start3A_260 = arith.constant 256 : i32
    %dma_start3A_261 = tpu.memref_slice %arg5[%dma_start3A_260] : memref<512xi32, #tpu.memory_space<vmem>> -> memref<16xi32, #tpu.memory_space<vmem>>
    %dma_start3A_262 = arith.constant 0 : i32
    %dma_start3A_263 = arith.constant 0 : i32
    %dma_start3A_264 = tpu.memref_slice %arg2[%dma_start3A_262, %dma_start3A_263] : memref<50277x1024xf32, #tpu.memory_space<hbm>> -> memref<50277x1024xf32, #tpu.memory_space<hbm>>
    tpu.enqueue_indirect_dma source(%dma_start3A_264 : memref<50277x1024xf32, #tpu.memory_space<hbm>>) target(%arg10 : memref<16x1024xf32, #tpu.memory_space<vmem>>) offsets(%dma_start3A_261 : memref<16xi32, #tpu.memory_space<vmem>>) semaphore(%arg16 : memref<!tpu.dma_semaphore, #tpu.memory_space<semaphore_mem>>)
    %dma_wait3A_265 = arith.constant 176 : i32
    %dma_wait3A_266 = tpu.memref_slice %arg5[%dma_wait3A_265] : memref<512xi32, #tpu.memory_space<vmem>> -> memref<16xi32, #tpu.memory_space<vmem>>
    %dma_wait3A_267 = arith.constant 0 : i32
    %dma_wait3A_268 = arith.constant 0 : i32
    %dma_wait3A_269 = tpu.memref_slice %arg2[%dma_wait3A_267, %dma_wait3A_268] : memref<50277x1024xf32, #tpu.memory_space<hbm>> -> memref<50277x1024xf32, #tpu.memory_space<hbm>>
    tpu.wait_indirect_dma semaphore(%arg17 : memref<!tpu.dma_semaphore, #tpu.memory_space<semaphore_mem>>) src(%dma_wait3A_269 : memref<50277x1024xf32, #tpu.memory_space<hbm>>) dst(%arg11 : memref<16x1024xf32, #tpu.memory_space<vmem>>)
    %add3A_270 = arith.constant 176 : i32
    %add3A_271 = arith.addi %mul3A_2, %add3A_270 : i32
    %dma_start3A_272 = arith.constant 0 : i32
    %dma_start3A_273 = tpu.memref_slice %arg4[%add3A_271, %dma_start3A_272] : memref<16384x1024xf32, #tpu.memory_space<hbm>> -> memref<16x1024xf32, #tpu.memory_space<hbm>>
    %dma_start3A_274 = arith.constant 0 : i32
    %dma_start3A_275 = tpu.memref_slice %arg4[%add3A_271, %dma_start3A_274] : memref<16384x1024xf32, #tpu.memory_space<hbm>> -> memref<16x1024xf32, #tpu.memory_space<hbm>>
    tpu.enqueue_dma source(%arg11 : memref<16x1024xf32, #tpu.memory_space<vmem>>) target(%dma_start3A_275 : memref<16x1024xf32, #tpu.memory_space<hbm>>) target_semaphore(%arg23 : memref<!tpu.dma_semaphore, #tpu.memory_space<semaphore_mem>>)
    %dma_wait3A_276 = arith.constant 0 : i32
    %dma_wait3A_277 = tpu.memref_slice %arg4[%add3A_271, %dma_wait3A_276] : memref<16384x1024xf32, #tpu.memory_space<hbm>> -> memref<16x1024xf32, #tpu.memory_space<hbm>>
    %dma_wait3A_278 = arith.constant 0 : i32
    %dma_wait3A_279 = tpu.memref_slice %arg4[%add3A_271, %dma_wait3A_278] : memref<16384x1024xf32, #tpu.memory_space<hbm>> -> memref<16x1024xf32, #tpu.memory_space<hbm>>
    tpu.wait_dma2 semaphore(%arg23 : memref<!tpu.dma_semaphore, #tpu.memory_space<semaphore_mem>>) src(%arg11 : memref<16x1024xf32, #tpu.memory_space<vmem>>) dst(%dma_wait3A_279 : memref<16x1024xf32, #tpu.memory_space<hbm>>)
    %dma_start3A_280 = arith.constant 272 : i32
    %dma_start3A_281 = tpu.memref_slice %arg5[%dma_start3A_280] : memref<512xi32, #tpu.memory_space<vmem>> -> memref<16xi32, #tpu.memory_space<vmem>>
    %dma_start3A_282 = arith.constant 0 : i32
    %dma_start3A_283 = arith.constant 0 : i32
    %dma_start3A_284 = tpu.memref_slice %arg2[%dma_start3A_282, %dma_start3A_283] : memref<50277x1024xf32, #tpu.memory_space<hbm>> -> memref<50277x1024xf32, #tpu.memory_space<hbm>>
    tpu.enqueue_indirect_dma source(%dma_start3A_284 : memref<50277x1024xf32, #tpu.memory_space<hbm>>) target(%arg11 : memref<16x1024xf32, #tpu.memory_space<vmem>>) offsets(%dma_start3A_281 : memref<16xi32, #tpu.memory_space<vmem>>) semaphore(%arg17 : memref<!tpu.dma_semaphore, #tpu.memory_space<semaphore_mem>>)
    %dma_wait3A_285 = arith.constant 192 : i32
    %dma_wait3A_286 = tpu.memref_slice %arg5[%dma_wait3A_285] : memref<512xi32, #tpu.memory_space<vmem>> -> memref<16xi32, #tpu.memory_space<vmem>>
    %dma_wait3A_287 = arith.constant 0 : i32
    %dma_wait3A_288 = arith.constant 0 : i32
    %dma_wait3A_289 = tpu.memref_slice %arg2[%dma_wait3A_287, %dma_wait3A_288] : memref<50277x1024xf32, #tpu.memory_space<hbm>> -> memref<50277x1024xf32, #tpu.memory_space<hbm>>
    tpu.wait_indirect_dma semaphore(%arg12 : memref<!tpu.dma_semaphore, #tpu.memory_space<semaphore_mem>>) src(%dma_wait3A_289 : memref<50277x1024xf32, #tpu.memory_space<hbm>>) dst(%arg6 : memref<16x1024xf32, #tpu.memory_space<vmem>>)
    %add3A_290 = arith.constant 192 : i32
    %add3A_291 = arith.addi %mul3A_2, %add3A_290 : i32
    %dma_start3A_292 = arith.constant 0 : i32
    %dma_start3A_293 = tpu.memref_slice %arg4[%add3A_291, %dma_start3A_292] : memref<16384x1024xf32, #tpu.memory_space<hbm>> -> memref<16x1024xf32, #tpu.memory_space<hbm>>
    %dma_start3A_294 = arith.constant 0 : i32
    %dma_start3A_295 = tpu.memref_slice %arg4[%add3A_291, %dma_start3A_294] : memref<16384x1024xf32, #tpu.memory_space<hbm>> -> memref<16x1024xf32, #tpu.memory_space<hbm>>
    tpu.enqueue_dma source(%arg6 : memref<16x1024xf32, #tpu.memory_space<vmem>>) target(%dma_start3A_295 : memref<16x1024xf32, #tpu.memory_space<hbm>>) target_semaphore(%arg18 : memref<!tpu.dma_semaphore, #tpu.memory_space<semaphore_mem>>)
    %dma_wait3A_296 = arith.constant 0 : i32
    %dma_wait3A_297 = tpu.memref_slice %arg4[%add3A_291, %dma_wait3A_296] : memref<16384x1024xf32, #tpu.memory_space<hbm>> -> memref<16x1024xf32, #tpu.memory_space<hbm>>
    %dma_wait3A_298 = arith.constant 0 : i32
    %dma_wait3A_299 = tpu.memref_slice %arg4[%add3A_291, %dma_wait3A_298] : memref<16384x1024xf32, #tpu.memory_space<hbm>> -> memref<16x1024xf32, #tpu.memory_space<hbm>>
    tpu.wait_dma2 semaphore(%arg18 : memref<!tpu.dma_semaphore, #tpu.memory_space<semaphore_mem>>) src(%arg6 : memref<16x1024xf32, #tpu.memory_space<vmem>>) dst(%dma_wait3A_299 : memref<16x1024xf32, #tpu.memory_space<hbm>>)
    %dma_start3A_300 = arith.constant 288 : i32
    %dma_start3A_301 = tpu.memref_slice %arg5[%dma_start3A_300] : memref<512xi32, #tpu.memory_space<vmem>> -> memref<16xi32, #tpu.memory_space<vmem>>
    %dma_start3A_302 = arith.constant 0 : i32
    %dma_start3A_303 = arith.constant 0 : i32
    %dma_start3A_304 = tpu.memref_slice %arg2[%dma_start3A_302, %dma_start3A_303] : memref<50277x1024xf32, #tpu.memory_space<hbm>> -> memref<50277x1024xf32, #tpu.memory_space<hbm>>
    tpu.enqueue_indirect_dma source(%dma_start3A_304 : memref<50277x1024xf32, #tpu.memory_space<hbm>>) target(%arg6 : memref<16x1024xf32, #tpu.memory_space<vmem>>) offsets(%dma_start3A_301 : memref<16xi32, #tpu.memory_space<vmem>>) semaphore(%arg12 : memref<!tpu.dma_semaphore, #tpu.memory_space<semaphore_mem>>)
    %dma_wait3A_305 = arith.constant 208 : i32
    %dma_wait3A_306 = tpu.memref_slice %arg5[%dma_wait3A_305] : memref<512xi32, #tpu.memory_space<vmem>> -> memref<16xi32, #tpu.memory_space<vmem>>
    %dma_wait3A_307 = arith.constant 0 : i32
    %dma_wait3A_308 = arith.constant 0 : i32
    %dma_wait3A_309 = tpu.memref_slice %arg2[%dma_wait3A_307, %dma_wait3A_308] : memref<50277x1024xf32, #tpu.memory_space<hbm>> -> memref<50277x1024xf32, #tpu.memory_space<hbm>>
    tpu.wait_indirect_dma semaphore(%arg13 : memref<!tpu.dma_semaphore, #tpu.memory_space<semaphore_mem>>) src(%dma_wait3A_309 : memref<50277x1024xf32, #tpu.memory_space<hbm>>) dst(%arg7 : memref<16x1024xf32, #tpu.memory_space<vmem>>)
    %add3A_310 = arith.constant 208 : i32
    %add3A_311 = arith.addi %mul3A_2, %add3A_310 : i32
    %dma_start3A_312 = arith.constant 0 : i32
    %dma_start3A_313 = tpu.memref_slice %arg4[%add3A_311, %dma_start3A_312] : memref<16384x1024xf32, #tpu.memory_space<hbm>> -> memref<16x1024xf32, #tpu.memory_space<hbm>>
    %dma_start3A_314 = arith.constant 0 : i32
    %dma_start3A_315 = tpu.memref_slice %arg4[%add3A_311, %dma_start3A_314] : memref<16384x1024xf32, #tpu.memory_space<hbm>> -> memref<16x1024xf32, #tpu.memory_space<hbm>>
    tpu.enqueue_dma source(%arg7 : memref<16x1024xf32, #tpu.memory_space<vmem>>) target(%dma_start3A_315 : memref<16x1024xf32, #tpu.memory_space<hbm>>) target_semaphore(%arg19 : memref<!tpu.dma_semaphore, #tpu.memory_space<semaphore_mem>>)
    %dma_wait3A_316 = arith.constant 0 : i32
    %dma_wait3A_317 = tpu.memref_slice %arg4[%add3A_311, %dma_wait3A_316] : memref<16384x1024xf32, #tpu.memory_space<hbm>> -> memref<16x1024xf32, #tpu.memory_space<hbm>>
    %dma_wait3A_318 = arith.constant 0 : i32
    %dma_wait3A_319 = tpu.memref_slice %arg4[%add3A_311, %dma_wait3A_318] : memref<16384x1024xf32, #tpu.memory_space<hbm>> -> memref<16x1024xf32, #tpu.memory_space<hbm>>
    tpu.wait_dma2 semaphore(%arg19 : memref<!tpu.dma_semaphore, #tpu.memory_space<semaphore_mem>>) src(%arg7 : memref<16x1024xf32, #tpu.memory_space<vmem>>) dst(%dma_wait3A_319 : memref<16x1024xf32, #tpu.memory_space<hbm>>)
    %dma_start3A_320 = arith.constant 304 : i32
    %dma_start3A_321 = tpu.memref_slice %arg5[%dma_start3A_320] : memref<512xi32, #tpu.memory_space<vmem>> -> memref<16xi32, #tpu.memory_space<vmem>>
    %dma_start3A_322 = arith.constant 0 : i32
    %dma_start3A_323 = arith.constant 0 : i32
    %dma_start3A_324 = tpu.memref_slice %arg2[%dma_start3A_322, %dma_start3A_323] : memref<50277x1024xf32, #tpu.memory_space<hbm>> -> memref<50277x1024xf32, #tpu.memory_space<hbm>>
    tpu.enqueue_indirect_dma source(%dma_start3A_324 : memref<50277x1024xf32, #tpu.memory_space<hbm>>) target(%arg7 : memref<16x1024xf32, #tpu.memory_space<vmem>>) offsets(%dma_start3A_321 : memref<16xi32, #tpu.memory_space<vmem>>) semaphore(%arg13 : memref<!tpu.dma_semaphore, #tpu.memory_space<semaphore_mem>>)
    %dma_wait3A_325 = arith.constant 224 : i32
    %dma_wait3A_326 = tpu.memref_slice %arg5[%dma_wait3A_325] : memref<512xi32, #tpu.memory_space<vmem>> -> memref<16xi32, #tpu.memory_space<vmem>>
    %dma_wait3A_327 = arith.constant 0 : i32
    %dma_wait3A_328 = arith.constant 0 : i32
    %dma_wait3A_329 = tpu.memref_slice %arg2[%dma_wait3A_327, %dma_wait3A_328] : memref<50277x1024xf32, #tpu.memory_space<hbm>> -> memref<50277x1024xf32, #tpu.memory_space<hbm>>
    tpu.wait_indirect_dma semaphore(%arg14 : memref<!tpu.dma_semaphore, #tpu.memory_space<semaphore_mem>>) src(%dma_wait3A_329 : memref<50277x1024xf32, #tpu.memory_space<hbm>>) dst(%arg8 : memref<16x1024xf32, #tpu.memory_space<vmem>>)
    %add3A_330 = arith.constant 224 : i32
    %add3A_331 = arith.addi %mul3A_2, %add3A_330 : i32
    %dma_start3A_332 = arith.constant 0 : i32
    %dma_start3A_333 = tpu.memref_slice %arg4[%add3A_331, %dma_start3A_332] : memref<16384x1024xf32, #tpu.memory_space<hbm>> -> memref<16x1024xf32, #tpu.memory_space<hbm>>
    %dma_start3A_334 = arith.constant 0 : i32
    %dma_start3A_335 = tpu.memref_slice %arg4[%add3A_331, %dma_start3A_334] : memref<16384x1024xf32, #tpu.memory_space<hbm>> -> memref<16x1024xf32, #tpu.memory_space<hbm>>
    tpu.enqueue_dma source(%arg8 : memref<16x1024xf32, #tpu.memory_space<vmem>>) target(%dma_start3A_335 : memref<16x1024xf32, #tpu.memory_space<hbm>>) target_semaphore(%arg20 : memref<!tpu.dma_semaphore, #tpu.memory_space<semaphore_mem>>)
    %dma_wait3A_336 = arith.constant 0 : i32
    %dma_wait3A_337 = tpu.memref_slice %arg4[%add3A_331, %dma_wait3A_336] : memref<16384x1024xf32, #tpu.memory_space<hbm>> -> memref<16x1024xf32, #tpu.memory_space<hbm>>
    %dma_wait3A_338 = arith.constant 0 : i32
    %dma_wait3A_339 = tpu.memref_slice %arg4[%add3A_331, %dma_wait3A_338] : memref<16384x1024xf32, #tpu.memory_space<hbm>> -> memref<16x1024xf32, #tpu.memory_space<hbm>>
    tpu.wait_dma2 semaphore(%arg20 : memref<!tpu.dma_semaphore, #tpu.memory_space<semaphore_mem>>) src(%arg8 : memref<16x1024xf32, #tpu.memory_space<vmem>>) dst(%dma_wait3A_339 : memref<16x1024xf32, #tpu.memory_space<hbm>>)
    %dma_start3A_340 = arith.constant 320 : i32
    %dma_start3A_341 = tpu.memref_slice %arg5[%dma_start3A_340] : memref<512xi32, #tpu.memory_space<vmem>> -> memref<16xi32, #tpu.memory_space<vmem>>
    %dma_start3A_342 = arith.constant 0 : i32
    %dma_start3A_343 = arith.constant 0 : i32
    %dma_start3A_344 = tpu.memref_slice %arg2[%dma_start3A_342, %dma_start3A_343] : memref<50277x1024xf32, #tpu.memory_space<hbm>> -> memref<50277x1024xf32, #tpu.memory_space<hbm>>
    tpu.enqueue_indirect_dma source(%dma_start3A_344 : memref<50277x1024xf32, #tpu.memory_space<hbm>>) target(%arg8 : memref<16x1024xf32, #tpu.memory_space<vmem>>) offsets(%dma_start3A_341 : memref<16xi32, #tpu.memory_space<vmem>>) semaphore(%arg14 : memref<!tpu.dma_semaphore, #tpu.memory_space<semaphore_mem>>)
    %dma_wait3A_345 = arith.constant 240 : i32
    %dma_wait3A_346 = tpu.memref_slice %arg5[%dma_wait3A_345] : memref<512xi32, #tpu.memory_space<vmem>> -> memref<16xi32, #tpu.memory_space<vmem>>
    %dma_wait3A_347 = arith.constant 0 : i32
    %dma_wait3A_348 = arith.constant 0 : i32
    %dma_wait3A_349 = tpu.memref_slice %arg2[%dma_wait3A_347, %dma_wait3A_348] : memref<50277x1024xf32, #tpu.memory_space<hbm>> -> memref<50277x1024xf32, #tpu.memory_space<hbm>>
    tpu.wait_indirect_dma semaphore(%arg15 : memref<!tpu.dma_semaphore, #tpu.memory_space<semaphore_mem>>) src(%dma_wait3A_349 : memref<50277x1024xf32, #tpu.memory_space<hbm>>) dst(%arg9 : memref<16x1024xf32, #tpu.memory_space<vmem>>)
    %add3A_350 = arith.constant 240 : i32
    %add3A_351 = arith.addi %mul3A_2, %add3A_350 : i32
    %dma_start3A_352 = arith.constant 0 : i32
    %dma_start3A_353 = tpu.memref_slice %arg4[%add3A_351, %dma_start3A_352] : memref<16384x1024xf32, #tpu.memory_space<hbm>> -> memref<16x1024xf32, #tpu.memory_space<hbm>>
    %dma_start3A_354 = arith.constant 0 : i32
    %dma_start3A_355 = tpu.memref_slice %arg4[%add3A_351, %dma_start3A_354] : memref<16384x1024xf32, #tpu.memory_space<hbm>> -> memref<16x1024xf32, #tpu.memory_space<hbm>>
    tpu.enqueue_dma source(%arg9 : memref<16x1024xf32, #tpu.memory_space<vmem>>) target(%dma_start3A_355 : memref<16x1024xf32, #tpu.memory_space<hbm>>) target_semaphore(%arg21 : memref<!tpu.dma_semaphore, #tpu.memory_space<semaphore_mem>>)
    %dma_wait3A_356 = arith.constant 0 : i32
    %dma_wait3A_357 = tpu.memref_slice %arg4[%add3A_351, %dma_wait3A_356] : memref<16384x1024xf32, #tpu.memory_space<hbm>> -> memref<16x1024xf32, #tpu.memory_space<hbm>>
    %dma_wait3A_358 = arith.constant 0 : i32
    %dma_wait3A_359 = tpu.memref_slice %arg4[%add3A_351, %dma_wait3A_358] : memref<16384x1024xf32, #tpu.memory_space<hbm>> -> memref<16x1024xf32, #tpu.memory_space<hbm>>
    tpu.wait_dma2 semaphore(%arg21 : memref<!tpu.dma_semaphore, #tpu.memory_space<semaphore_mem>>) src(%arg9 : memref<16x1024xf32, #tpu.memory_space<vmem>>) dst(%dma_wait3A_359 : memref<16x1024xf32, #tpu.memory_space<hbm>>)
    %dma_start3A_360 = arith.constant 336 : i32
    %dma_start3A_361 = tpu.memref_slice %arg5[%dma_start3A_360] : memref<512xi32, #tpu.memory_space<vmem>> -> memref<16xi32, #tpu.memory_space<vmem>>
    %dma_start3A_362 = arith.constant 0 : i32
    %dma_start3A_363 = arith.constant 0 : i32
    %dma_start3A_364 = tpu.memref_slice %arg2[%dma_start3A_362, %dma_start3A_363] : memref<50277x1024xf32, #tpu.memory_space<hbm>> -> memref<50277x1024xf32, #tpu.memory_space<hbm>>
    tpu.enqueue_indirect_dma source(%dma_start3A_364 : memref<50277x1024xf32, #tpu.memory_space<hbm>>) target(%arg9 : memref<16x1024xf32, #tpu.memory_space<vmem>>) offsets(%dma_start3A_361 : memref<16xi32, #tpu.memory_space<vmem>>) semaphore(%arg15 : memref<!tpu.dma_semaphore, #tpu.memory_space<semaphore_mem>>)
    %dma_wait3A_365 = arith.constant 256 : i32
    %dma_wait3A_366 = tpu.memref_slice %arg5[%dma_wait3A_365] : memref<512xi32, #tpu.memory_space<vmem>> -> memref<16xi32, #tpu.memory_space<vmem>>
    %dma_wait3A_367 = arith.constant 0 : i32
    %dma_wait3A_368 = arith.constant 0 : i32
    %dma_wait3A_369 = tpu.memref_slice %arg2[%dma_wait3A_367, %dma_wait3A_368] : memref<50277x1024xf32, #tpu.memory_space<hbm>> -> memref<50277x1024xf32, #tpu.memory_space<hbm>>
    tpu.wait_indirect_dma semaphore(%arg16 : memref<!tpu.dma_semaphore, #tpu.memory_space<semaphore_mem>>) src(%dma_wait3A_369 : memref<50277x1024xf32, #tpu.memory_space<hbm>>) dst(%arg10 : memref<16x1024xf32, #tpu.memory_space<vmem>>)
    %add3A_370 = arith.constant 256 : i32
    %add3A_371 = arith.addi %mul3A_2, %add3A_370 : i32
    %dma_start3A_372 = arith.constant 0 : i32
    %dma_start3A_373 = tpu.memref_slice %arg4[%add3A_371, %dma_start3A_372] : memref<16384x1024xf32, #tpu.memory_space<hbm>> -> memref<16x1024xf32, #tpu.memory_space<hbm>>
    %dma_start3A_374 = arith.constant 0 : i32
    %dma_start3A_375 = tpu.memref_slice %arg4[%add3A_371, %dma_start3A_374] : memref<16384x1024xf32, #tpu.memory_space<hbm>> -> memref<16x1024xf32, #tpu.memory_space<hbm>>
    tpu.enqueue_dma source(%arg10 : memref<16x1024xf32, #tpu.memory_space<vmem>>) target(%dma_start3A_375 : memref<16x1024xf32, #tpu.memory_space<hbm>>) target_semaphore(%arg22 : memref<!tpu.dma_semaphore, #tpu.memory_space<semaphore_mem>>)
    %dma_wait3A_376 = arith.constant 0 : i32
    %dma_wait3A_377 = tpu.memref_slice %arg4[%add3A_371, %dma_wait3A_376] : memref<16384x1024xf32, #tpu.memory_space<hbm>> -> memref<16x1024xf32, #tpu.memory_space<hbm>>
    %dma_wait3A_378 = arith.constant 0 : i32
    %dma_wait3A_379 = tpu.memref_slice %arg4[%add3A_371, %dma_wait3A_378] : memref<16384x1024xf32, #tpu.memory_space<hbm>> -> memref<16x1024xf32, #tpu.memory_space<hbm>>
    tpu.wait_dma2 semaphore(%arg22 : memref<!tpu.dma_semaphore, #tpu.memory_space<semaphore_mem>>) src(%arg10 : memref<16x1024xf32, #tpu.memory_space<vmem>>) dst(%dma_wait3A_379 : memref<16x1024xf32, #tpu.memory_space<hbm>>)
    %dma_start3A_380 = arith.constant 352 : i32
    %dma_start3A_381 = tpu.memref_slice %arg5[%dma_start3A_380] : memref<512xi32, #tpu.memory_space<vmem>> -> memref<16xi32, #tpu.memory_space<vmem>>
    %dma_start3A_382 = arith.constant 0 : i32
    %dma_start3A_383 = arith.constant 0 : i32
    %dma_start3A_384 = tpu.memref_slice %arg2[%dma_start3A_382, %dma_start3A_383] : memref<50277x1024xf32, #tpu.memory_space<hbm>> -> memref<50277x1024xf32, #tpu.memory_space<hbm>>
    tpu.enqueue_indirect_dma source(%dma_start3A_384 : memref<50277x1024xf32, #tpu.memory_space<hbm>>) target(%arg10 : memref<16x1024xf32, #tpu.memory_space<vmem>>) offsets(%dma_start3A_381 : memref<16xi32, #tpu.memory_space<vmem>>) semaphore(%arg16 : memref<!tpu.dma_semaphore, #tpu.memory_space<semaphore_mem>>)
    %dma_wait3A_385 = arith.constant 272 : i32
    %dma_wait3A_386 = tpu.memref_slice %arg5[%dma_wait3A_385] : memref<512xi32, #tpu.memory_space<vmem>> -> memref<16xi32, #tpu.memory_space<vmem>>
    %dma_wait3A_387 = arith.constant 0 : i32
    %dma_wait3A_388 = arith.constant 0 : i32
    %dma_wait3A_389 = tpu.memref_slice %arg2[%dma_wait3A_387, %dma_wait3A_388] : memref<50277x1024xf32, #tpu.memory_space<hbm>> -> memref<50277x1024xf32, #tpu.memory_space<hbm>>
    tpu.wait_indirect_dma semaphore(%arg17 : memref<!tpu.dma_semaphore, #tpu.memory_space<semaphore_mem>>) src(%dma_wait3A_389 : memref<50277x1024xf32, #tpu.memory_space<hbm>>) dst(%arg11 : memref<16x1024xf32, #tpu.memory_space<vmem>>)
    %add3A_390 = arith.constant 272 : i32
    %add3A_391 = arith.addi %mul3A_2, %add3A_390 : i32
    %dma_start3A_392 = arith.constant 0 : i32
    %dma_start3A_393 = tpu.memref_slice %arg4[%add3A_391, %dma_start3A_392] : memref<16384x1024xf32, #tpu.memory_space<hbm>> -> memref<16x1024xf32, #tpu.memory_space<hbm>>
    %dma_start3A_394 = arith.constant 0 : i32
    %dma_start3A_395 = tpu.memref_slice %arg4[%add3A_391, %dma_start3A_394] : memref<16384x1024xf32, #tpu.memory_space<hbm>> -> memref<16x1024xf32, #tpu.memory_space<hbm>>
    tpu.enqueue_dma source(%arg11 : memref<16x1024xf32, #tpu.memory_space<vmem>>) target(%dma_start3A_395 : memref<16x1024xf32, #tpu.memory_space<hbm>>) target_semaphore(%arg23 : memref<!tpu.dma_semaphore, #tpu.memory_space<semaphore_mem>>)
    %dma_wait3A_396 = arith.constant 0 : i32
    %dma_wait3A_397 = tpu.memref_slice %arg4[%add3A_391, %dma_wait3A_396] : memref<16384x1024xf32, #tpu.memory_space<hbm>> -> memref<16x1024xf32, #tpu.memory_space<hbm>>
    %dma_wait3A_398 = arith.constant 0 : i32
    %dma_wait3A_399 = tpu.memref_slice %arg4[%add3A_391, %dma_wait3A_398] : memref<16384x1024xf32, #tpu.memory_space<hbm>> -> memref<16x1024xf32, #tpu.memory_space<hbm>>
    tpu.wait_dma2 semaphore(%arg23 : memref<!tpu.dma_semaphore, #tpu.memory_space<semaphore_mem>>) src(%arg11 : memref<16x1024xf32, #tpu.memory_space<vmem>>) dst(%dma_wait3A_399 : memref<16x1024xf32, #tpu.memory_space<hbm>>)
    %dma_start3A_400 = arith.constant 368 : i32
    %dma_start3A_401 = tpu.memref_slice %arg5[%dma_start3A_400] : memref<512xi32, #tpu.memory_space<vmem>> -> memref<16xi32, #tpu.memory_space<vmem>>
    %dma_start3A_402 = arith.constant 0 : i32
    %dma_start3A_403 = arith.constant 0 : i32
    %dma_start3A_404 = tpu.memref_slice %arg2[%dma_start3A_402, %dma_start3A_403] : memref<50277x1024xf32, #tpu.memory_space<hbm>> -> memref<50277x1024xf32, #tpu.memory_space<hbm>>
    tpu.enqueue_indirect_dma source(%dma_start3A_404 : memref<50277x1024xf32, #tpu.memory_space<hbm>>) target(%arg11 : memref<16x1024xf32, #tpu.memory_space<vmem>>) offsets(%dma_start3A_401 : memref<16xi32, #tpu.memory_space<vmem>>) semaphore(%arg17 : memref<!tpu.dma_semaphore, #tpu.memory_space<semaphore_mem>>)
    %dma_wait3A_405 = arith.constant 288 : i32
    %dma_wait3A_406 = tpu.memref_slice %arg5[%dma_wait3A_405] : memref<512xi32, #tpu.memory_space<vmem>> -> memref<16xi32, #tpu.memory_space<vmem>>
    %dma_wait3A_407 = arith.constant 0 : i32
    %dma_wait3A_408 = arith.constant 0 : i32
    %dma_wait3A_409 = tpu.memref_slice %arg2[%dma_wait3A_407, %dma_wait3A_408] : memref<50277x1024xf32, #tpu.memory_space<hbm>> -> memref<50277x1024xf32, #tpu.memory_space<hbm>>
    tpu.wait_indirect_dma semaphore(%arg12 : memref<!tpu.dma_semaphore, #tpu.memory_space<semaphore_mem>>) src(%dma_wait3A_409 : memref<50277x1024xf32, #tpu.memory_space<hbm>>) dst(%arg6 : memref<16x1024xf32, #tpu.memory_space<vmem>>)
    %add3A_410 = arith.constant 288 : i32
    %add3A_411 = arith.addi %mul3A_2, %add3A_410 : i32
    %dma_start3A_412 = arith.constant 0 : i32
    %dma_start3A_413 = tpu.memref_slice %arg4[%add3A_411, %dma_start3A_412] : memref<16384x1024xf32, #tpu.memory_space<hbm>> -> memref<16x1024xf32, #tpu.memory_space<hbm>>
    %dma_start3A_414 = arith.constant 0 : i32
    %dma_start3A_415 = tpu.memref_slice %arg4[%add3A_411, %dma_start3A_414] : memref<16384x1024xf32, #tpu.memory_space<hbm>> -> memref<16x1024xf32, #tpu.memory_space<hbm>>
    tpu.enqueue_dma source(%arg6 : memref<16x1024xf32, #tpu.memory_space<vmem>>) target(%dma_start3A_415 : memref<16x1024xf32, #tpu.memory_space<hbm>>) target_semaphore(%arg18 : memref<!tpu.dma_semaphore, #tpu.memory_space<semaphore_mem>>)
    %dma_wait3A_416 = arith.constant 0 : i32
    %dma_wait3A_417 = tpu.memref_slice %arg4[%add3A_411, %dma_wait3A_416] : memref<16384x1024xf32, #tpu.memory_space<hbm>> -> memref<16x1024xf32, #tpu.memory_space<hbm>>
    %dma_wait3A_418 = arith.constant 0 : i32
    %dma_wait3A_419 = tpu.memref_slice %arg4[%add3A_411, %dma_wait3A_418] : memref<16384x1024xf32, #tpu.memory_space<hbm>> -> memref<16x1024xf32, #tpu.memory_space<hbm>>
    tpu.wait_dma2 semaphore(%arg18 : memref<!tpu.dma_semaphore, #tpu.memory_space<semaphore_mem>>) src(%arg6 : memref<16x1024xf32, #tpu.memory_space<vmem>>) dst(%dma_wait3A_419 : memref<16x1024xf32, #tpu.memory_space<hbm>>)
    %dma_start3A_420 = arith.constant 384 : i32
    %dma_start3A_421 = tpu.memref_slice %arg5[%dma_start3A_420] : memref<512xi32, #tpu.memory_space<vmem>> -> memref<16xi32, #tpu.memory_space<vmem>>
    %dma_start3A_422 = arith.constant 0 : i32
    %dma_start3A_423 = arith.constant 0 : i32
    %dma_start3A_424 = tpu.memref_slice %arg2[%dma_start3A_422, %dma_start3A_423] : memref<50277x1024xf32, #tpu.memory_space<hbm>> -> memref<50277x1024xf32, #tpu.memory_space<hbm>>
    tpu.enqueue_indirect_dma source(%dma_start3A_424 : memref<50277x1024xf32, #tpu.memory_space<hbm>>) target(%arg6 : memref<16x1024xf32, #tpu.memory_space<vmem>>) offsets(%dma_start3A_421 : memref<16xi32, #tpu.memory_space<vmem>>) semaphore(%arg12 : memref<!tpu.dma_semaphore, #tpu.memory_space<semaphore_mem>>)
    %dma_wait3A_425 = arith.constant 304 : i32
    %dma_wait3A_426 = tpu.memref_slice %arg5[%dma_wait3A_425] : memref<512xi32, #tpu.memory_space<vmem>> -> memref<16xi32, #tpu.memory_space<vmem>>
    %dma_wait3A_427 = arith.constant 0 : i32
    %dma_wait3A_428 = arith.constant 0 : i32
    %dma_wait3A_429 = tpu.memref_slice %arg2[%dma_wait3A_427, %dma_wait3A_428] : memref<50277x1024xf32, #tpu.memory_space<hbm>> -> memref<50277x1024xf32, #tpu.memory_space<hbm>>
    tpu.wait_indirect_dma semaphore(%arg13 : memref<!tpu.dma_semaphore, #tpu.memory_space<semaphore_mem>>) src(%dma_wait3A_429 : memref<50277x1024xf32, #tpu.memory_space<hbm>>) dst(%arg7 : memref<16x1024xf32, #tpu.memory_space<vmem>>)
    %add3A_430 = arith.constant 304 : i32
    %add3A_431 = arith.addi %mul3A_2, %add3A_430 : i32
    %dma_start3A_432 = arith.constant 0 : i32
    %dma_start3A_433 = tpu.memref_slice %arg4[%add3A_431, %dma_start3A_432] : memref<16384x1024xf32, #tpu.memory_space<hbm>> -> memref<16x1024xf32, #tpu.memory_space<hbm>>
    %dma_start3A_434 = arith.constant 0 : i32
    %dma_start3A_435 = tpu.memref_slice %arg4[%add3A_431, %dma_start3A_434] : memref<16384x1024xf32, #tpu.memory_space<hbm>> -> memref<16x1024xf32, #tpu.memory_space<hbm>>
    tpu.enqueue_dma source(%arg7 : memref<16x1024xf32, #tpu.memory_space<vmem>>) target(%dma_start3A_435 : memref<16x1024xf32, #tpu.memory_space<hbm>>) target_semaphore(%arg19 : memref<!tpu.dma_semaphore, #tpu.memory_space<semaphore_mem>>)
    %dma_wait3A_436 = arith.constant 0 : i32
    %dma_wait3A_437 = tpu.memref_slice %arg4[%add3A_431, %dma_wait3A_436] : memref<16384x1024xf32, #tpu.memory_space<hbm>> -> memref<16x1024xf32, #tpu.memory_space<hbm>>
    %dma_wait3A_438 = arith.constant 0 : i32
    %dma_wait3A_439 = tpu.memref_slice %arg4[%add3A_431, %dma_wait3A_438] : memref<16384x1024xf32, #tpu.memory_space<hbm>> -> memref<16x1024xf32, #tpu.memory_space<hbm>>
    tpu.wait_dma2 semaphore(%arg19 : memref<!tpu.dma_semaphore, #tpu.memory_space<semaphore_mem>>) src(%arg7 : memref<16x1024xf32, #tpu.memory_space<vmem>>) dst(%dma_wait3A_439 : memref<16x1024xf32, #tpu.memory_space<hbm>>)
    %dma_start3A_440 = arith.constant 400 : i32
    %dma_start3A_441 = tpu.memref_slice %arg5[%dma_start3A_440] : memref<512xi32, #tpu.memory_space<vmem>> -> memref<16xi32, #tpu.memory_space<vmem>>
    %dma_start3A_442 = arith.constant 0 : i32
    %dma_start3A_443 = arith.constant 0 : i32
    %dma_start3A_444 = tpu.memref_slice %arg2[%dma_start3A_442, %dma_start3A_443] : memref<50277x1024xf32, #tpu.memory_space<hbm>> -> memref<50277x1024xf32, #tpu.memory_space<hbm>>
    tpu.enqueue_indirect_dma source(%dma_start3A_444 : memref<50277x1024xf32, #tpu.memory_space<hbm>>) target(%arg7 : memref<16x1024xf32, #tpu.memory_space<vmem>>) offsets(%dma_start3A_441 : memref<16xi32, #tpu.memory_space<vmem>>) semaphore(%arg13 : memref<!tpu.dma_semaphore, #tpu.memory_space<semaphore_mem>>)
    %dma_wait3A_445 = arith.constant 320 : i32
    %dma_wait3A_446 = tpu.memref_slice %arg5[%dma_wait3A_445] : memref<512xi32, #tpu.memory_space<vmem>> -> memref<16xi32, #tpu.memory_space<vmem>>
    %dma_wait3A_447 = arith.constant 0 : i32
    %dma_wait3A_448 = arith.constant 0 : i32
    %dma_wait3A_449 = tpu.memref_slice %arg2[%dma_wait3A_447, %dma_wait3A_448] : memref<50277x1024xf32, #tpu.memory_space<hbm>> -> memref<50277x1024xf32, #tpu.memory_space<hbm>>
    tpu.wait_indirect_dma semaphore(%arg14 : memref<!tpu.dma_semaphore, #tpu.memory_space<semaphore_mem>>) src(%dma_wait3A_449 : memref<50277x1024xf32, #tpu.memory_space<hbm>>) dst(%arg8 : memref<16x1024xf32, #tpu.memory_space<vmem>>)
    %add3A_450 = arith.constant 320 : i32
    %add3A_451 = arith.addi %mul3A_2, %add3A_450 : i32
    %dma_start3A_452 = arith.constant 0 : i32
    %dma_start3A_453 = tpu.memref_slice %arg4[%add3A_451, %dma_start3A_452] : memref<16384x1024xf32, #tpu.memory_space<hbm>> -> memref<16x1024xf32, #tpu.memory_space<hbm>>
    %dma_start3A_454 = arith.constant 0 : i32
    %dma_start3A_455 = tpu.memref_slice %arg4[%add3A_451, %dma_start3A_454] : memref<16384x1024xf32, #tpu.memory_space<hbm>> -> memref<16x1024xf32, #tpu.memory_space<hbm>>
    tpu.enqueue_dma source(%arg8 : memref<16x1024xf32, #tpu.memory_space<vmem>>) target(%dma_start3A_455 : memref<16x1024xf32, #tpu.memory_space<hbm>>) target_semaphore(%arg20 : memref<!tpu.dma_semaphore, #tpu.memory_space<semaphore_mem>>)
    %dma_wait3A_456 = arith.constant 0 : i32
    %dma_wait3A_457 = tpu.memref_slice %arg4[%add3A_451, %dma_wait3A_456] : memref<16384x1024xf32, #tpu.memory_space<hbm>> -> memref<16x1024xf32, #tpu.memory_space<hbm>>
    %dma_wait3A_458 = arith.constant 0 : i32
    %dma_wait3A_459 = tpu.memref_slice %arg4[%add3A_451, %dma_wait3A_458] : memref<16384x1024xf32, #tpu.memory_space<hbm>> -> memref<16x1024xf32, #tpu.memory_space<hbm>>
    tpu.wait_dma2 semaphore(%arg20 : memref<!tpu.dma_semaphore, #tpu.memory_space<semaphore_mem>>) src(%arg8 : memref<16x1024xf32, #tpu.memory_space<vmem>>) dst(%dma_wait3A_459 : memref<16x1024xf32, #tpu.memory_space<hbm>>)
    %dma_start3A_460 = arith.constant 416 : i32
    %dma_start3A_461 = tpu.memref_slice %arg5[%dma_start3A_460] : memref<512xi32, #tpu.memory_space<vmem>> -> memref<16xi32, #tpu.memory_space<vmem>>
    %dma_start3A_462 = arith.constant 0 : i32
    %dma_start3A_463 = arith.constant 0 : i32
    %dma_start3A_464 = tpu.memref_slice %arg2[%dma_start3A_462, %dma_start3A_463] : memref<50277x1024xf32, #tpu.memory_space<hbm>> -> memref<50277x1024xf32, #tpu.memory_space<hbm>>
    tpu.enqueue_indirect_dma source(%dma_start3A_464 : memref<50277x1024xf32, #tpu.memory_space<hbm>>) target(%arg8 : memref<16x1024xf32, #tpu.memory_space<vmem>>) offsets(%dma_start3A_461 : memref<16xi32, #tpu.memory_space<vmem>>) semaphore(%arg14 : memref<!tpu.dma_semaphore, #tpu.memory_space<semaphore_mem>>)
    %dma_wait3A_465 = arith.constant 336 : i32
    %dma_wait3A_466 = tpu.memref_slice %arg5[%dma_wait3A_465] : memref<512xi32, #tpu.memory_space<vmem>> -> memref<16xi32, #tpu.memory_space<vmem>>
    %dma_wait3A_467 = arith.constant 0 : i32
    %dma_wait3A_468 = arith.constant 0 : i32
    %dma_wait3A_469 = tpu.memref_slice %arg2[%dma_wait3A_467, %dma_wait3A_468] : memref<50277x1024xf32, #tpu.memory_space<hbm>> -> memref<50277x1024xf32, #tpu.memory_space<hbm>>
    tpu.wait_indirect_dma semaphore(%arg15 : memref<!tpu.dma_semaphore, #tpu.memory_space<semaphore_mem>>) src(%dma_wait3A_469 : memref<50277x1024xf32, #tpu.memory_space<hbm>>) dst(%arg9 : memref<16x1024xf32, #tpu.memory_space<vmem>>)
    %add3A_470 = arith.constant 336 : i32
    %add3A_471 = arith.addi %mul3A_2, %add3A_470 : i32
    %dma_start3A_472 = arith.constant 0 : i32
    %dma_start3A_473 = tpu.memref_slice %arg4[%add3A_471, %dma_start3A_472] : memref<16384x1024xf32, #tpu.memory_space<hbm>> -> memref<16x1024xf32, #tpu.memory_space<hbm>>
    %dma_start3A_474 = arith.constant 0 : i32
    %dma_start3A_475 = tpu.memref_slice %arg4[%add3A_471, %dma_start3A_474] : memref<16384x1024xf32, #tpu.memory_space<hbm>> -> memref<16x1024xf32, #tpu.memory_space<hbm>>
    tpu.enqueue_dma source(%arg9 : memref<16x1024xf32, #tpu.memory_space<vmem>>) target(%dma_start3A_475 : memref<16x1024xf32, #tpu.memory_space<hbm>>) target_semaphore(%arg21 : memref<!tpu.dma_semaphore, #tpu.memory_space<semaphore_mem>>)
    %dma_wait3A_476 = arith.constant 0 : i32
    %dma_wait3A_477 = tpu.memref_slice %arg4[%add3A_471, %dma_wait3A_476] : memref<16384x1024xf32, #tpu.memory_space<hbm>> -> memref<16x1024xf32, #tpu.memory_space<hbm>>
    %dma_wait3A_478 = arith.constant 0 : i32
    %dma_wait3A_479 = tpu.memref_slice %arg4[%add3A_471, %dma_wait3A_478] : memref<16384x1024xf32, #tpu.memory_space<hbm>> -> memref<16x1024xf32, #tpu.memory_space<hbm>>
    tpu.wait_dma2 semaphore(%arg21 : memref<!tpu.dma_semaphore, #tpu.memory_space<semaphore_mem>>) src(%arg9 : memref<16x1024xf32, #tpu.memory_space<vmem>>) dst(%dma_wait3A_479 : memref<16x1024xf32, #tpu.memory_space<hbm>>)
    %dma_start3A_480 = arith.constant 432 : i32
    %dma_start3A_481 = tpu.memref_slice %arg5[%dma_start3A_480] : memref<512xi32, #tpu.memory_space<vmem>> -> memref<16xi32, #tpu.memory_space<vmem>>
    %dma_start3A_482 = arith.constant 0 : i32
    %dma_start3A_483 = arith.constant 0 : i32
    %dma_start3A_484 = tpu.memref_slice %arg2[%dma_start3A_482, %dma_start3A_483] : memref<50277x1024xf32, #tpu.memory_space<hbm>> -> memref<50277x1024xf32, #tpu.memory_space<hbm>>
    tpu.enqueue_indirect_dma source(%dma_start3A_484 : memref<50277x1024xf32, #tpu.memory_space<hbm>>) target(%arg9 : memref<16x1024xf32, #tpu.memory_space<vmem>>) offsets(%dma_start3A_481 : memref<16xi32, #tpu.memory_space<vmem>>) semaphore(%arg15 : memref<!tpu.dma_semaphore, #tpu.memory_space<semaphore_mem>>)
    %dma_wait3A_485 = arith.constant 352 : i32
    %dma_wait3A_486 = tpu.memref_slice %arg5[%dma_wait3A_485] : memref<512xi32, #tpu.memory_space<vmem>> -> memref<16xi32, #tpu.memory_space<vmem>>
    %dma_wait3A_487 = arith.constant 0 : i32
    %dma_wait3A_488 = arith.constant 0 : i32
    %dma_wait3A_489 = tpu.memref_slice %arg2[%dma_wait3A_487, %dma_wait3A_488] : memref<50277x1024xf32, #tpu.memory_space<hbm>> -> memref<50277x1024xf32, #tpu.memory_space<hbm>>
    tpu.wait_indirect_dma semaphore(%arg16 : memref<!tpu.dma_semaphore, #tpu.memory_space<semaphore_mem>>) src(%dma_wait3A_489 : memref<50277x1024xf32, #tpu.memory_space<hbm>>) dst(%arg10 : memref<16x1024xf32, #tpu.memory_space<vmem>>)
    %add3A_490 = arith.constant 352 : i32
    %add3A_491 = arith.addi %mul3A_2, %add3A_490 : i32
    %dma_start3A_492 = arith.constant 0 : i32
    %dma_start3A_493 = tpu.memref_slice %arg4[%add3A_491, %dma_start3A_492] : memref<16384x1024xf32, #tpu.memory_space<hbm>> -> memref<16x1024xf32, #tpu.memory_space<hbm>>
    %dma_start3A_494 = arith.constant 0 : i32
    %dma_start3A_495 = tpu.memref_slice %arg4[%add3A_491, %dma_start3A_494] : memref<16384x1024xf32, #tpu.memory_space<hbm>> -> memref<16x1024xf32, #tpu.memory_space<hbm>>
    tpu.enqueue_dma source(%arg10 : memref<16x1024xf32, #tpu.memory_space<vmem>>) target(%dma_start3A_495 : memref<16x1024xf32, #tpu.memory_space<hbm>>) target_semaphore(%arg22 : memref<!tpu.dma_semaphore, #tpu.memory_space<semaphore_mem>>)
    %dma_wait3A_496 = arith.constant 0 : i32
    %dma_wait3A_497 = tpu.memref_slice %arg4[%add3A_491, %dma_wait3A_496] : memref<16384x1024xf32, #tpu.memory_space<hbm>> -> memref<16x1024xf32, #tpu.memory_space<hbm>>
    %dma_wait3A_498 = arith.constant 0 : i32
    %dma_wait3A_499 = tpu.memref_slice %arg4[%add3A_491, %dma_wait3A_498] : memref<16384x1024xf32, #tpu.memory_space<hbm>> -> memref<16x1024xf32, #tpu.memory_space<hbm>>
    tpu.wait_dma2 semaphore(%arg22 : memref<!tpu.dma_semaphore, #tpu.memory_space<semaphore_mem>>) src(%arg10 : memref<16x1024xf32, #tpu.memory_space<vmem>>) dst(%dma_wait3A_499 : memref<16x1024xf32, #tpu.memory_space<hbm>>)
    %dma_start3A_500 = arith.constant 448 : i32
    %dma_start3A_501 = tpu.memref_slice %arg5[%dma_start3A_500] : memref<512xi32, #tpu.memory_space<vmem>> -> memref<16xi32, #tpu.memory_space<vmem>>
    %dma_start3A_502 = arith.constant 0 : i32
    %dma_start3A_503 = arith.constant 0 : i32
    %dma_start3A_504 = tpu.memref_slice %arg2[%dma_start3A_502, %dma_start3A_503] : memref<50277x1024xf32, #tpu.memory_space<hbm>> -> memref<50277x1024xf32, #tpu.memory_space<hbm>>
    tpu.enqueue_indirect_dma source(%dma_start3A_504 : memref<50277x1024xf32, #tpu.memory_space<hbm>>) target(%arg10 : memref<16x1024xf32, #tpu.memory_space<vmem>>) offsets(%dma_start3A_501 : memref<16xi32, #tpu.memory_space<vmem>>) semaphore(%arg16 : memref<!tpu.dma_semaphore, #tpu.memory_space<semaphore_mem>>)
    %dma_wait3A_505 = arith.constant 368 : i32
    %dma_wait3A_506 = tpu.memref_slice %arg5[%dma_wait3A_505] : memref<512xi32, #tpu.memory_space<vmem>> -> memref<16xi32, #tpu.memory_space<vmem>>
    %dma_wait3A_507 = arith.constant 0 : i32
    %dma_wait3A_508 = arith.constant 0 : i32
    %dma_wait3A_509 = tpu.memref_slice %arg2[%dma_wait3A_507, %dma_wait3A_508] : memref<50277x1024xf32, #tpu.memory_space<hbm>> -> memref<50277x1024xf32, #tpu.memory_space<hbm>>
    tpu.wait_indirect_dma semaphore(%arg17 : memref<!tpu.dma_semaphore, #tpu.memory_space<semaphore_mem>>) src(%dma_wait3A_509 : memref<50277x1024xf32, #tpu.memory_space<hbm>>) dst(%arg11 : memref<16x1024xf32, #tpu.memory_space<vmem>>)
    %add3A_510 = arith.constant 368 : i32
    %add3A_511 = arith.addi %mul3A_2, %add3A_510 : i32
    %dma_start3A_512 = arith.constant 0 : i32
    %dma_start3A_513 = tpu.memref_slice %arg4[%add3A_511, %dma_start3A_512] : memref<16384x1024xf32, #tpu.memory_space<hbm>> -> memref<16x1024xf32, #tpu.memory_space<hbm>>
    %dma_start3A_514 = arith.constant 0 : i32
    %dma_start3A_515 = tpu.memref_slice %arg4[%add3A_511, %dma_start3A_514] : memref<16384x1024xf32, #tpu.memory_space<hbm>> -> memref<16x1024xf32, #tpu.memory_space<hbm>>
    tpu.enqueue_dma source(%arg11 : memref<16x1024xf32, #tpu.memory_space<vmem>>) target(%dma_start3A_515 : memref<16x1024xf32, #tpu.memory_space<hbm>>) target_semaphore(%arg23 : memref<!tpu.dma_semaphore, #tpu.memory_space<semaphore_mem>>)
    %dma_wait3A_516 = arith.constant 0 : i32
    %dma_wait3A_517 = tpu.memref_slice %arg4[%add3A_511, %dma_wait3A_516] : memref<16384x1024xf32, #tpu.memory_space<hbm>> -> memref<16x1024xf32, #tpu.memory_space<hbm>>
    %dma_wait3A_518 = arith.constant 0 : i32
    %dma_wait3A_519 = tpu.memref_slice %arg4[%add3A_511, %dma_wait3A_518] : memref<16384x1024xf32, #tpu.memory_space<hbm>> -> memref<16x1024xf32, #tpu.memory_space<hbm>>
    tpu.wait_dma2 semaphore(%arg23 : memref<!tpu.dma_semaphore, #tpu.memory_space<semaphore_mem>>) src(%arg11 : memref<16x1024xf32, #tpu.memory_space<vmem>>) dst(%dma_wait3A_519 : memref<16x1024xf32, #tpu.memory_space<hbm>>)
    %dma_start3A_520 = arith.constant 464 : i32
    %dma_start3A_521 = tpu.memref_slice %arg5[%dma_start3A_520] : memref<512xi32, #tpu.memory_space<vmem>> -> memref<16xi32, #tpu.memory_space<vmem>>
    %dma_start3A_522 = arith.constant 0 : i32
    %dma_start3A_523 = arith.constant 0 : i32
    %dma_start3A_524 = tpu.memref_slice %arg2[%dma_start3A_522, %dma_start3A_523] : memref<50277x1024xf32, #tpu.memory_space<hbm>> -> memref<50277x1024xf32, #tpu.memory_space<hbm>>
    tpu.enqueue_indirect_dma source(%dma_start3A_524 : memref<50277x1024xf32, #tpu.memory_space<hbm>>) target(%arg11 : memref<16x1024xf32, #tpu.memory_space<vmem>>) offsets(%dma_start3A_521 : memref<16xi32, #tpu.memory_space<vmem>>) semaphore(%arg17 : memref<!tpu.dma_semaphore, #tpu.memory_space<semaphore_mem>>)
    %dma_wait3A_525 = arith.constant 384 : i32
    %dma_wait3A_526 = tpu.memref_slice %arg5[%dma_wait3A_525] : memref<512xi32, #tpu.memory_space<vmem>> -> memref<16xi32, #tpu.memory_space<vmem>>
    %dma_wait3A_527 = arith.constant 0 : i32
    %dma_wait3A_528 = arith.constant 0 : i32
    %dma_wait3A_529 = tpu.memref_slice %arg2[%dma_wait3A_527, %dma_wait3A_528] : memref<50277x1024xf32, #tpu.memory_space<hbm>> -> memref<50277x1024xf32, #tpu.memory_space<hbm>>
    tpu.wait_indirect_dma semaphore(%arg12 : memref<!tpu.dma_semaphore, #tpu.memory_space<semaphore_mem>>) src(%dma_wait3A_529 : memref<50277x1024xf32, #tpu.memory_space<hbm>>) dst(%arg6 : memref<16x1024xf32, #tpu.memory_space<vmem>>)
    %add3A_530 = arith.constant 384 : i32
    %add3A_531 = arith.addi %mul3A_2, %add3A_530 : i32
    %dma_start3A_532 = arith.constant 0 : i32
    %dma_start3A_533 = tpu.memref_slice %arg4[%add3A_531, %dma_start3A_532] : memref<16384x1024xf32, #tpu.memory_space<hbm>> -> memref<16x1024xf32, #tpu.memory_space<hbm>>
    %dma_start3A_534 = arith.constant 0 : i32
    %dma_start3A_535 = tpu.memref_slice %arg4[%add3A_531, %dma_start3A_534] : memref<16384x1024xf32, #tpu.memory_space<hbm>> -> memref<16x1024xf32, #tpu.memory_space<hbm>>
    tpu.enqueue_dma source(%arg6 : memref<16x1024xf32, #tpu.memory_space<vmem>>) target(%dma_start3A_535 : memref<16x1024xf32, #tpu.memory_space<hbm>>) target_semaphore(%arg18 : memref<!tpu.dma_semaphore, #tpu.memory_space<semaphore_mem>>)
    %dma_wait3A_536 = arith.constant 0 : i32
    %dma_wait3A_537 = tpu.memref_slice %arg4[%add3A_531, %dma_wait3A_536] : memref<16384x1024xf32, #tpu.memory_space<hbm>> -> memref<16x1024xf32, #tpu.memory_space<hbm>>
    %dma_wait3A_538 = arith.constant 0 : i32
    %dma_wait3A_539 = tpu.memref_slice %arg4[%add3A_531, %dma_wait3A_538] : memref<16384x1024xf32, #tpu.memory_space<hbm>> -> memref<16x1024xf32, #tpu.memory_space<hbm>>
    tpu.wait_dma2 semaphore(%arg18 : memref<!tpu.dma_semaphore, #tpu.memory_space<semaphore_mem>>) src(%arg6 : memref<16x1024xf32, #tpu.memory_space<vmem>>) dst(%dma_wait3A_539 : memref<16x1024xf32, #tpu.memory_space<hbm>>)
    %dma_start3A_540 = arith.constant 480 : i32
    %dma_start3A_541 = tpu.memref_slice %arg5[%dma_start3A_540] : memref<512xi32, #tpu.memory_space<vmem>> -> memref<16xi32, #tpu.memory_space<vmem>>
    %dma_start3A_542 = arith.constant 0 : i32
    %dma_start3A_543 = arith.constant 0 : i32
    %dma_start3A_544 = tpu.memref_slice %arg2[%dma_start3A_542, %dma_start3A_543] : memref<50277x1024xf32, #tpu.memory_space<hbm>> -> memref<50277x1024xf32, #tpu.memory_space<hbm>>
    tpu.enqueue_indirect_dma source(%dma_start3A_544 : memref<50277x1024xf32, #tpu.memory_space<hbm>>) target(%arg6 : memref<16x1024xf32, #tpu.memory_space<vmem>>) offsets(%dma_start3A_541 : memref<16xi32, #tpu.memory_space<vmem>>) semaphore(%arg12 : memref<!tpu.dma_semaphore, #tpu.memory_space<semaphore_mem>>)
    %dma_wait3A_545 = arith.constant 400 : i32
    %dma_wait3A_546 = tpu.memref_slice %arg5[%dma_wait3A_545] : memref<512xi32, #tpu.memory_space<vmem>> -> memref<16xi32, #tpu.memory_space<vmem>>
    %dma_wait3A_547 = arith.constant 0 : i32
    %dma_wait3A_548 = arith.constant 0 : i32
    %dma_wait3A_549 = tpu.memref_slice %arg2[%dma_wait3A_547, %dma_wait3A_548] : memref<50277x1024xf32, #tpu.memory_space<hbm>> -> memref<50277x1024xf32, #tpu.memory_space<hbm>>
    tpu.wait_indirect_dma semaphore(%arg13 : memref<!tpu.dma_semaphore, #tpu.memory_space<semaphore_mem>>) src(%dma_wait3A_549 : memref<50277x1024xf32, #tpu.memory_space<hbm>>) dst(%arg7 : memref<16x1024xf32, #tpu.memory_space<vmem>>)
    %add3A_550 = arith.constant 400 : i32
    %add3A_551 = arith.addi %mul3A_2, %add3A_550 : i32
    %dma_start3A_552 = arith.constant 0 : i32
    %dma_start3A_553 = tpu.memref_slice %arg4[%add3A_551, %dma_start3A_552] : memref<16384x1024xf32, #tpu.memory_space<hbm>> -> memref<16x1024xf32, #tpu.memory_space<hbm>>
    %dma_start3A_554 = arith.constant 0 : i32
    %dma_start3A_555 = tpu.memref_slice %arg4[%add3A_551, %dma_start3A_554] : memref<16384x1024xf32, #tpu.memory_space<hbm>> -> memref<16x1024xf32, #tpu.memory_space<hbm>>
    tpu.enqueue_dma source(%arg7 : memref<16x1024xf32, #tpu.memory_space<vmem>>) target(%dma_start3A_555 : memref<16x1024xf32, #tpu.memory_space<hbm>>) target_semaphore(%arg19 : memref<!tpu.dma_semaphore, #tpu.memory_space<semaphore_mem>>)
    %dma_wait3A_556 = arith.constant 0 : i32
    %dma_wait3A_557 = tpu.memref_slice %arg4[%add3A_551, %dma_wait3A_556] : memref<16384x1024xf32, #tpu.memory_space<hbm>> -> memref<16x1024xf32, #tpu.memory_space<hbm>>
    %dma_wait3A_558 = arith.constant 0 : i32
    %dma_wait3A_559 = tpu.memref_slice %arg4[%add3A_551, %dma_wait3A_558] : memref<16384x1024xf32, #tpu.memory_space<hbm>> -> memref<16x1024xf32, #tpu.memory_space<hbm>>
    tpu.wait_dma2 semaphore(%arg19 : memref<!tpu.dma_semaphore, #tpu.memory_space<semaphore_mem>>) src(%arg7 : memref<16x1024xf32, #tpu.memory_space<vmem>>) dst(%dma_wait3A_559 : memref<16x1024xf32, #tpu.memory_space<hbm>>)
    %dma_start3A_560 = arith.constant 496 : i32
    %dma_start3A_561 = tpu.memref_slice %arg5[%dma_start3A_560] : memref<512xi32, #tpu.memory_space<vmem>> -> memref<16xi32, #tpu.memory_space<vmem>>
    %dma_start3A_562 = arith.constant 0 : i32
    %dma_start3A_563 = arith.constant 0 : i32
    %dma_start3A_564 = tpu.memref_slice %arg2[%dma_start3A_562, %dma_start3A_563] : memref<50277x1024xf32, #tpu.memory_space<hbm>> -> memref<50277x1024xf32, #tpu.memory_space<hbm>>
    tpu.enqueue_indirect_dma source(%dma_start3A_564 : memref<50277x1024xf32, #tpu.memory_space<hbm>>) target(%arg7 : memref<16x1024xf32, #tpu.memory_space<vmem>>) offsets(%dma_start3A_561 : memref<16xi32, #tpu.memory_space<vmem>>) semaphore(%arg13 : memref<!tpu.dma_semaphore, #tpu.memory_space<semaphore_mem>>)
    %dma_wait3A_565 = arith.constant 416 : i32
    %dma_wait3A_566 = tpu.memref_slice %arg5[%dma_wait3A_565] : memref<512xi32, #tpu.memory_space<vmem>> -> memref<16xi32, #tpu.memory_space<vmem>>
    %dma_wait3A_567 = arith.constant 0 : i32
    %dma_wait3A_568 = arith.constant 0 : i32
    %dma_wait3A_569 = tpu.memref_slice %arg2[%dma_wait3A_567, %dma_wait3A_568] : memref<50277x1024xf32, #tpu.memory_space<hbm>> -> memref<50277x1024xf32, #tpu.memory_space<hbm>>
    tpu.wait_indirect_dma semaphore(%arg14 : memref<!tpu.dma_semaphore, #tpu.memory_space<semaphore_mem>>) src(%dma_wait3A_569 : memref<50277x1024xf32, #tpu.memory_space<hbm>>) dst(%arg8 : memref<16x1024xf32, #tpu.memory_space<vmem>>)
    %add3A_570 = arith.constant 416 : i32
    %add3A_571 = arith.addi %mul3A_2, %add3A_570 : i32
    %dma_start3A_572 = arith.constant 0 : i32
    %dma_start3A_573 = tpu.memref_slice %arg4[%add3A_571, %dma_start3A_572] : memref<16384x1024xf32, #tpu.memory_space<hbm>> -> memref<16x1024xf32, #tpu.memory_space<hbm>>
    %dma_start3A_574 = arith.constant 0 : i32
    %dma_start3A_575 = tpu.memref_slice %arg4[%add3A_571, %dma_start3A_574] : memref<16384x1024xf32, #tpu.memory_space<hbm>> -> memref<16x1024xf32, #tpu.memory_space<hbm>>
    tpu.enqueue_dma source(%arg8 : memref<16x1024xf32, #tpu.memory_space<vmem>>) target(%dma_start3A_575 : memref<16x1024xf32, #tpu.memory_space<hbm>>) target_semaphore(%arg20 : memref<!tpu.dma_semaphore, #tpu.memory_space<semaphore_mem>>)
    %dma_wait3A_576 = arith.constant 432 : i32
    %dma_wait3A_577 = tpu.memref_slice %arg5[%dma_wait3A_576] : memref<512xi32, #tpu.memory_space<vmem>> -> memref<16xi32, #tpu.memory_space<vmem>>
    %dma_wait3A_578 = arith.constant 0 : i32
    %dma_wait3A_579 = arith.constant 0 : i32
    %dma_wait3A_580 = tpu.memref_slice %arg2[%dma_wait3A_578, %dma_wait3A_579] : memref<50277x1024xf32, #tpu.memory_space<hbm>> -> memref<50277x1024xf32, #tpu.memory_space<hbm>>
    tpu.wait_indirect_dma semaphore(%arg15 : memref<!tpu.dma_semaphore, #tpu.memory_space<semaphore_mem>>) src(%dma_wait3A_580 : memref<50277x1024xf32, #tpu.memory_space<hbm>>) dst(%arg9 : memref<16x1024xf32, #tpu.memory_space<vmem>>)
    %add3A_581 = arith.constant 432 : i32
    %add3A_582 = arith.addi %mul3A_2, %add3A_581 : i32
    %dma_start3A_583 = arith.constant 0 : i32
    %dma_start3A_584 = tpu.memref_slice %arg4[%add3A_582, %dma_start3A_583] : memref<16384x1024xf32, #tpu.memory_space<hbm>> -> memref<16x1024xf32, #tpu.memory_space<hbm>>
    %dma_start3A_585 = arith.constant 0 : i32
    %dma_start3A_586 = tpu.memref_slice %arg4[%add3A_582, %dma_start3A_585] : memref<16384x1024xf32, #tpu.memory_space<hbm>> -> memref<16x1024xf32, #tpu.memory_space<hbm>>
    tpu.enqueue_dma source(%arg9 : memref<16x1024xf32, #tpu.memory_space<vmem>>) target(%dma_start3A_586 : memref<16x1024xf32, #tpu.memory_space<hbm>>) target_semaphore(%arg21 : memref<!tpu.dma_semaphore, #tpu.memory_space<semaphore_mem>>)
    %dma_wait3A_587 = arith.constant 448 : i32
    %dma_wait3A_588 = tpu.memref_slice %arg5[%dma_wait3A_587] : memref<512xi32, #tpu.memory_space<vmem>> -> memref<16xi32, #tpu.memory_space<vmem>>
    %dma_wait3A_589 = arith.constant 0 : i32
    %dma_wait3A_590 = arith.constant 0 : i32
    %dma_wait3A_591 = tpu.memref_slice %arg2[%dma_wait3A_589, %dma_wait3A_590] : memref<50277x1024xf32, #tpu.memory_space<hbm>> -> memref<50277x1024xf32, #tpu.memory_space<hbm>>
    tpu.wait_indirect_dma semaphore(%arg16 : memref<!tpu.dma_semaphore, #tpu.memory_space<semaphore_mem>>) src(%dma_wait3A_591 : memref<50277x1024xf32, #tpu.memory_space<hbm>>) dst(%arg10 : memref<16x1024xf32, #tpu.memory_space<vmem>>)
    %add3A_592 = arith.constant 448 : i32
    %add3A_593 = arith.addi %mul3A_2, %add3A_592 : i32
    %dma_start3A_594 = arith.constant 0 : i32
    %dma_start3A_595 = tpu.memref_slice %arg4[%add3A_593, %dma_start3A_594] : memref<16384x1024xf32, #tpu.memory_space<hbm>> -> memref<16x1024xf32, #tpu.memory_space<hbm>>
    %dma_start3A_596 = arith.constant 0 : i32
    %dma_start3A_597 = tpu.memref_slice %arg4[%add3A_593, %dma_start3A_596] : memref<16384x1024xf32, #tpu.memory_space<hbm>> -> memref<16x1024xf32, #tpu.memory_space<hbm>>
    tpu.enqueue_dma source(%arg10 : memref<16x1024xf32, #tpu.memory_space<vmem>>) target(%dma_start3A_597 : memref<16x1024xf32, #tpu.memory_space<hbm>>) target_semaphore(%arg22 : memref<!tpu.dma_semaphore, #tpu.memory_space<semaphore_mem>>)
    %dma_wait3A_598 = arith.constant 464 : i32
    %dma_wait3A_599 = tpu.memref_slice %arg5[%dma_wait3A_598] : memref<512xi32, #tpu.memory_space<vmem>> -> memref<16xi32, #tpu.memory_space<vmem>>
    %dma_wait3A_600 = arith.constant 0 : i32
    %dma_wait3A_601 = arith.constant 0 : i32
    %dma_wait3A_602 = tpu.memref_slice %arg2[%dma_wait3A_600, %dma_wait3A_601] : memref<50277x1024xf32, #tpu.memory_space<hbm>> -> memref<50277x1024xf32, #tpu.memory_space<hbm>>
    tpu.wait_indirect_dma semaphore(%arg17 : memref<!tpu.dma_semaphore, #tpu.memory_space<semaphore_mem>>) src(%dma_wait3A_602 : memref<50277x1024xf32, #tpu.memory_space<hbm>>) dst(%arg11 : memref<16x1024xf32, #tpu.memory_space<vmem>>)
    %add3A_603 = arith.constant 464 : i32
    %add3A_604 = arith.addi %mul3A_2, %add3A_603 : i32
    %dma_start3A_605 = arith.constant 0 : i32
    %dma_start3A_606 = tpu.memref_slice %arg4[%add3A_604, %dma_start3A_605] : memref<16384x1024xf32, #tpu.memory_space<hbm>> -> memref<16x1024xf32, #tpu.memory_space<hbm>>
    %dma_start3A_607 = arith.constant 0 : i32
    %dma_start3A_608 = tpu.memref_slice %arg4[%add3A_604, %dma_start3A_607] : memref<16384x1024xf32, #tpu.memory_space<hbm>> -> memref<16x1024xf32, #tpu.memory_space<hbm>>
    tpu.enqueue_dma source(%arg11 : memref<16x1024xf32, #tpu.memory_space<vmem>>) target(%dma_start3A_608 : memref<16x1024xf32, #tpu.memory_space<hbm>>) target_semaphore(%arg23 : memref<!tpu.dma_semaphore, #tpu.memory_space<semaphore_mem>>)
    %dma_wait3A_609 = arith.constant 480 : i32
    %dma_wait3A_610 = tpu.memref_slice %arg5[%dma_wait3A_609] : memref<512xi32, #tpu.memory_space<vmem>> -> memref<16xi32, #tpu.memory_space<vmem>>
    %dma_wait3A_611 = arith.constant 0 : i32
    %dma_wait3A_612 = arith.constant 0 : i32
    %dma_wait3A_613 = tpu.memref_slice %arg2[%dma_wait3A_611, %dma_wait3A_612] : memref<50277x1024xf32, #tpu.memory_space<hbm>> -> memref<50277x1024xf32, #tpu.memory_space<hbm>>
    tpu.wait_indirect_dma semaphore(%arg12 : memref<!tpu.dma_semaphore, #tpu.memory_space<semaphore_mem>>) src(%dma_wait3A_613 : memref<50277x1024xf32, #tpu.memory_space<hbm>>) dst(%arg6 : memref<16x1024xf32, #tpu.memory_space<vmem>>)
    %add3A_614 = arith.constant 480 : i32
    %add3A_615 = arith.addi %mul3A_2, %add3A_614 : i32
    %dma_start3A_616 = arith.constant 0 : i32
    %dma_start3A_617 = tpu.memref_slice %arg4[%add3A_615, %dma_start3A_616] : memref<16384x1024xf32, #tpu.memory_space<hbm>> -> memref<16x1024xf32, #tpu.memory_space<hbm>>
    %dma_start3A_618 = arith.constant 0 : i32
    %dma_start3A_619 = tpu.memref_slice %arg4[%add3A_615, %dma_start3A_618] : memref<16384x1024xf32, #tpu.memory_space<hbm>> -> memref<16x1024xf32, #tpu.memory_space<hbm>>
    tpu.enqueue_dma source(%arg6 : memref<16x1024xf32, #tpu.memory_space<vmem>>) target(%dma_start3A_619 : memref<16x1024xf32, #tpu.memory_space<hbm>>) target_semaphore(%arg18 : memref<!tpu.dma_semaphore, #tpu.memory_space<semaphore_mem>>)
    %dma_wait3A_620 = arith.constant 496 : i32
    %dma_wait3A_621 = tpu.memref_slice %arg5[%dma_wait3A_620] : memref<512xi32, #tpu.memory_space<vmem>> -> memref<16xi32, #tpu.memory_space<vmem>>
    %dma_wait3A_622 = arith.constant 0 : i32
    %dma_wait3A_623 = arith.constant 0 : i32
    %dma_wait3A_624 = tpu.memref_slice %arg2[%dma_wait3A_622, %dma_wait3A_623] : memref<50277x1024xf32, #tpu.memory_space<hbm>> -> memref<50277x1024xf32, #tpu.memory_space<hbm>>
    tpu.wait_indirect_dma semaphore(%arg13 : memref<!tpu.dma_semaphore, #tpu.memory_space<semaphore_mem>>) src(%dma_wait3A_624 : memref<50277x1024xf32, #tpu.memory_space<hbm>>) dst(%arg7 : memref<16x1024xf32, #tpu.memory_space<vmem>>)
    %add3A_625 = arith.constant 496 : i32
    %add3A_626 = arith.addi %mul3A_2, %add3A_625 : i32
    %dma_start3A_627 = arith.constant 0 : i32
    %dma_start3A_628 = tpu.memref_slice %arg4[%add3A_626, %dma_start3A_627] : memref<16384x1024xf32, #tpu.memory_space<hbm>> -> memref<16x1024xf32, #tpu.memory_space<hbm>>
    %dma_start3A_629 = arith.constant 0 : i32
    %dma_start3A_630 = tpu.memref_slice %arg4[%add3A_626, %dma_start3A_629] : memref<16384x1024xf32, #tpu.memory_space<hbm>> -> memref<16x1024xf32, #tpu.memory_space<hbm>>
    tpu.enqueue_dma source(%arg7 : memref<16x1024xf32, #tpu.memory_space<vmem>>) target(%dma_start3A_630 : memref<16x1024xf32, #tpu.memory_space<hbm>>) target_semaphore(%arg19 : memref<!tpu.dma_semaphore, #tpu.memory_space<semaphore_mem>>)
    %dma_wait3A_631 = arith.constant 0 : i32
    %dma_wait3A_632 = tpu.memref_slice %arg4[%add3A_571, %dma_wait3A_631] : memref<16384x1024xf32, #tpu.memory_space<hbm>> -> memref<16x1024xf32, #tpu.memory_space<hbm>>
    %dma_wait3A_633 = arith.constant 0 : i32
    %dma_wait3A_634 = tpu.memref_slice %arg4[%add3A_571, %dma_wait3A_633] : memref<16384x1024xf32, #tpu.memory_space<hbm>> -> memref<16x1024xf32, #tpu.memory_space<hbm>>
    tpu.wait_dma2 semaphore(%arg20 : memref<!tpu.dma_semaphore, #tpu.memory_space<semaphore_mem>>) src(%arg8 : memref<16x1024xf32, #tpu.memory_space<vmem>>) dst(%dma_wait3A_634 : memref<16x1024xf32, #tpu.memory_space<hbm>>)
    %dma_wait3A_635 = arith.constant 0 : i32
    %dma_wait3A_636 = tpu.memref_slice %arg4[%add3A_582, %dma_wait3A_635] : memref<16384x1024xf32, #tpu.memory_space<hbm>> -> memref<16x1024xf32, #tpu.memory_space<hbm>>
    %dma_wait3A_637 = arith.constant 0 : i32
    %dma_wait3A_638 = tpu.memref_slice %arg4[%add3A_582, %dma_wait3A_637] : memref<16384x1024xf32, #tpu.memory_space<hbm>> -> memref<16x1024xf32, #tpu.memory_space<hbm>>
    tpu.wait_dma2 semaphore(%arg21 : memref<!tpu.dma_semaphore, #tpu.memory_space<semaphore_mem>>) src(%arg9 : memref<16x1024xf32, #tpu.memory_space<vmem>>) dst(%dma_wait3A_638 : memref<16x1024xf32, #tpu.memory_space<hbm>>)
    %dma_wait3A_639 = arith.constant 0 : i32
    %dma_wait3A_640 = tpu.memref_slice %arg4[%add3A_593, %dma_wait3A_639] : memref<16384x1024xf32, #tpu.memory_space<hbm>> -> memref<16x1024xf32, #tpu.memory_space<hbm>>
    %dma_wait3A_641 = arith.constant 0 : i32
    %dma_wait3A_642 = tpu.memref_slice %arg4[%add3A_593, %dma_wait3A_641] : memref<16384x1024xf32, #tpu.memory_space<hbm>> -> memref<16x1024xf32, #tpu.memory_space<hbm>>
    tpu.wait_dma2 semaphore(%arg22 : memref<!tpu.dma_semaphore, #tpu.memory_space<semaphore_mem>>) src(%arg10 : memref<16x1024xf32, #tpu.memory_space<vmem>>) dst(%dma_wait3A_642 : memref<16x1024xf32, #tpu.memory_space<hbm>>)
    %dma_wait3A_643 = arith.constant 0 : i32
    %dma_wait3A_644 = tpu.memref_slice %arg4[%add3A_604, %dma_wait3A_643] : memref<16384x1024xf32, #tpu.memory_space<hbm>> -> memref<16x1024xf32, #tpu.memory_space<hbm>>
    %dma_wait3A_645 = arith.constant 0 : i32
    %dma_wait3A_646 = tpu.memref_slice %arg4[%add3A_604, %dma_wait3A_645] : memref<16384x1024xf32, #tpu.memory_space<hbm>> -> memref<16x1024xf32, #tpu.memory_space<hbm>>
    tpu.wait_dma2 semaphore(%arg23 : memref<!tpu.dma_semaphore, #tpu.memory_space<semaphore_mem>>) src(%arg11 : memref<16x1024xf32, #tpu.memory_space<vmem>>) dst(%dma_wait3A_646 : memref<16x1024xf32, #tpu.memory_space<hbm>>)
    %dma_wait3A_647 = arith.constant 0 : i32
    %dma_wait3A_648 = tpu.memref_slice %arg4[%add3A_615, %dma_wait3A_647] : memref<16384x1024xf32, #tpu.memory_space<hbm>> -> memref<16x1024xf32, #tpu.memory_space<hbm>>
    %dma_wait3A_649 = arith.constant 0 : i32
    %dma_wait3A_650 = tpu.memref_slice %arg4[%add3A_615, %dma_wait3A_649] : memref<16384x1024xf32, #tpu.memory_space<hbm>> -> memref<16x1024xf32, #tpu.memory_space<hbm>>
    tpu.wait_dma2 semaphore(%arg18 : memref<!tpu.dma_semaphore, #tpu.memory_space<semaphore_mem>>) src(%arg6 : memref<16x1024xf32, #tpu.memory_space<vmem>>) dst(%dma_wait3A_650 : memref<16x1024xf32, #tpu.memory_space<hbm>>)
    %dma_wait3A_651 = arith.constant 0 : i32
    %dma_wait3A_652 = tpu.memref_slice %arg4[%add3A_626, %dma_wait3A_651] : memref<16384x1024xf32, #tpu.memory_space<hbm>> -> memref<16x1024xf32, #tpu.memory_space<hbm>>
    %dma_wait3A_653 = arith.constant 0 : i32
    %dma_wait3A_654 = tpu.memref_slice %arg4[%add3A_626, %dma_wait3A_653] : memref<16384x1024xf32, #tpu.memory_space<hbm>> -> memref<16x1024xf32, #tpu.memory_space<hbm>>
    tpu.wait_dma2 semaphore(%arg19 : memref<!tpu.dma_semaphore, #tpu.memory_space<semaphore_mem>>) src(%arg7 : memref<16x1024xf32, #tpu.memory_space<vmem>>) dst(%dma_wait3A_654 : memref<16x1024xf32, #tpu.memory_space<hbm>>)
    return
  }
}

</mosaic_0001>

<sc_bundles>
// kernel: _gather.3.cloned.1.call-start
scs
__scs_entry_jumppad:
0x0: {  	(pc) =	sbr.rel $0x88, $3  }
0x1: {  	(tag) =	ssettag $0x0;
	lr =	simm.s32 $0x1  }
0x2: {  	[smem:$0x3F9F] =	sst lr;
	_ =	strace $0xD0000000  }
0x3: {  	_ = 	snop  }
0x4: {  	_ = 	snop  }
0x5: {  	_ = 	snop  }
0x6: {  	_ = 	snop  }
0x7: {  	_ = 	snop  }
__scs_overlays_trampoline_lowered:
0x8: {  	[smem:$0x3FAE] =	sst s0  }
0x9: {  	[smem:$0x3FAF] =	sst s1  }
0xa: {  	[smem:$0x3FB0] =	sst s2  }
0xb: {  	[smem:$0x3FB1] =	sst s3  }
0xc: {  	[smem:$0x3FB2] =	sst s4  }
0xd: {  	[smem:$0x3FB3] =	sst s5  }
0xe: {  	[smem:$0x3FB4] =	sst s6  }
0xf: {  	[smem:$0x3FB5] =	sst s7  }
0x10: {  	[smem:$0x3FB6] =	sst s8  }
0x11: {  	[smem:$0x3FB7] =	sst s9;
	s0 =	simm.s32 @!p0 $0x0  }
0x12: {  	s1 =	sld [smem:$0x3F9D];
	s0 =	simm.s32 @p0 $0x1  }
0x13: {  	[smem:$0x3FB8] =	sst s0;
	s0 =	simm.s32 @!p1 $0x0  }
0x14: {  	s2 =	sld [smem:$0x3F9C];
	s0 =	simm.s32 @p1 $0x1  }
0x15: {  	[smem:$0x3FB9] =	sst s0;
	s0 =	simm.s32 @!p2 $0x0  }
0x16: {  	s3 =	sld [smem:$0x3FDB];
	s0 =	simm.s32 @p2 $0x1  }
0x17: {  	s4 =	simm.s32 $0x1BF5;
	[smem:$0x3FBB] =	sst s0  }
0x18: {  	s0 =	sld [smem:$0x3F9E];
	_ =	swait.ge [sflag:s4], $0x0  }
0x19: {  	s7 =	sld [smem:$0x3F9F]  }
0x1a: {  	s8 =	sadd.s32 $0xFFFFE003, lr  }
0x1b: {  	s9 =	sadd.s32 $0xFFFFFEF7, lr;
	s5 =	simm.s32 $0xFFFFFFFF;
	p2 =	slt.u32 s8, $0xFFFFF086  }
0x1c: {  	p1 =	slt.u32 s9, $0xF7A;
	s5 =	simm.s32 @!p2 $0x0  }
0x1d: {  	s5 =	simm.s32 @p1 $0x1;
	p0 =	seq.s32 s7, s2  }
0x1e: {  	s7 =	smul.u32 @!p0 $0xF7A, s2;
	p2 =	seq.s32 @!p0 s5, $0x0  }
0x1f: {  	s9 =	smul.u32 $0xF7A, s1;
	s8 =	simm.s32 @!p0 $0x1BF5;
	p2 =	por !p2, p0  }
0x20: {  	[sflag:s8] =	ssyncset.s32 @!p0 $0xFFFFF086;
	s6 =	sadd.s32 @!p0 s3, s7;
	s7 =	simm.s32 @!p0 $0x108  }
0x21: {  	s3 =	sadd.s32 s3, s9;
	s6 =	sadd.s32 @!p0 $0x88, s6;
	s7 =	simm.s32 @p2 $0x1082  }
0x22: {  	[simem:s7], [sflag:s8] =	dma.local @!p0 [hbm:s6], $0xF7A  }
0x23: {  	s9 =	sor.u32 $0xD0000000, s2;
	s6 =	simm.s32 $0x108;
	_ =	swait.ge @!p0 [sflag:s8], $0x0  }
0x24: {  	s3 =	sadd.s32 $0x88, s3;
	s6 =	simm.s32 @!p1 $0x1082;
	[sflag:s4] =	ssyncset.s32 $0xFFFFF086  }
0x25: {  	[simem:s6], [sflag:s4] =	dma.local [hbm:s3], $0xF7A  }
0x26: {  	[smem:$0x3F9F] =	sst s1;
	(tag) =	ssettag s2;
	_ =	strace s9  }
0x27: {  	s1 =	sld [smem:$0x3FAF]  }
0x28: {  	s2 =	sld [smem:$0x3FB0]  }
0x29: {  	s4 =	sld [smem:$0x3FB2]  }
0x2a: {  	p0 =	seq.s32 s5, $0x0;
	s5 =	sld [smem:$0x3FB3]  }
0x2b: {  	s6 =	sld [smem:$0x3FB4]  }
0x2c: {  	s7 =	sld [smem:$0x3FB5]  }
0x2d: {  	s3 =	simm.s32 $0x108;
	s8 =	sld [smem:$0x3FB6]  }
0x2e: {  	s3 =	simm.s32 @!p0 $0x1082;
	s9 =	sld [smem:$0x3FB7]  }
0x2f: {  	lr =	sadd.s32 s0, s3;
	s0 =	sld [smem:$0x3FAE]  }
0x30: {  	s3 =	sld [smem:$0x3FB1]  }
0x31: {  	[smem:$0x3FBA] =	sst s10  }
0x32: {  	s10 =	sld [smem:$0x3FB8];
	_ =	sdelay $0x3  }
0x33: {  	p0 =	seq.s32 s10, $0x1;
	s10 =	sld [smem:$0x3FBA];
	_ =	sdelay $0x3  }
0x34: {  	[smem:$0x3FBA] =	sst s10  }
0x35: {  	s10 =	sld [smem:$0x3FB9];
	_ =	sdelay $0x3  }
0x36: {  	p1 =	seq.s32 s10, $0x1;
	s10 =	sld [smem:$0x3FBA];
	_ =	sdelay $0x3  }
0x37: {  	[smem:$0x3FBA] =	sst s10  }
0x38: {  	s10 =	sld [smem:$0x3FBB]  }
0x39: {  	_ = 	snop;
	(pc) =	sbr.ind lr, $3  }
0x3a: {  	_ = 	snop  }
0x3b: {  	_ = 	snop  }
0x3c: {  	p2 =	seq.s32 s10, $0x1;
	s10 =	sld [smem:$0x3FBA]  }
0x3d: {  	_ =	shalt  }
0x3e: {  	_ =	shalt  }
0x3f: {  	_ =	shalt  }
0x40: {  	_ =	shalt  }
0x41: {  	_ =	shalt  }
0x42: {  	_ =	shalt  }
0x43: {  	_ =	shalt  }
0x44: {  	_ =	shalt  }
0x45: {  	_ =	shalt  }
0x46: {  	_ =	shalt  }
0x47: {  	_ =	shalt  }
0x48: {  	_ =	shalt  }
0x49: {  	_ =	shalt  }
0x4a: {  	_ =	shalt  }
0x4b: {  	_ =	shalt  }
0x4c: {  	_ =	shalt  }
0x4d: {  	_ =	shalt  }
0x4e: {  	_ =	shalt  }
0x4f: {  	_ =	shalt  }
0x50: {  	_ =	shalt  }
0x51: {  	_ =	shalt  }
0x52: {  	_ =	shalt  }
0x53: {  	_ =	shalt  }
0x54: {  	_ =	shalt  }
0x55: {  	_ =	shalt  }
0x56: {  	_ =	shalt  }
0x57: {  	_ =	shalt  }
0x58: {  	_ =	shalt  }
0x59: {  	_ =	shalt  }
0x5a: {  	_ =	shalt  }
0x5b: {  	_ =	shalt  }
0x5c: {  	_ =	shalt  }
0x5d: {  	_ =	shalt  }
0x5e: {  	_ =	shalt  }
0x5f: {  	_ =	shalt  }
0x60: {  	_ =	shalt  }
0x61: {  	_ =	shalt  }
0x62: {  	_ =	shalt  }
0x63: {  	_ =	shalt  }
0x64: {  	_ =	shalt  }
0x65: {  	_ =	shalt  }
0x66: {  	_ =	shalt  }
0x67: {  	_ =	shalt  }
0x68: {  	_ =	shalt  }
0x69: {  	_ =	shalt  }
0x6a: {  	_ =	shalt  }
0x6b: {  	_ =	shalt  }
0x6c: {  	_ =	shalt  }
0x6d: {  	_ =	shalt  }
0x6e: {  	_ =	shalt  }
0x6f: {  	_ =	shalt  }
0x70: {  	_ =	shalt  }
0x71: {  	_ =	shalt  }
0x72: {  	_ =	shalt  }
0x73: {  	_ =	shalt  }
0x74: {  	_ =	shalt  }
0x75: {  	_ =	shalt  }
0x76: {  	_ =	shalt  }
0x77: {  	_ =	shalt  }
0x78: {  	_ =	shalt  }
0x79: {  	_ =	shalt  }
0x7a: {  	_ =	shalt  }
0x7b: {  	_ =	shalt  }
0x7c: {  	_ =	shalt  }
0x7d: {  	_ =	shalt  }
0x7e: {  	_ =	shalt  }
0x7f: {  	_ =	shalt  }
0x80: {  	_ =	shalt  }
0x81: {  	_ =	shalt  }
0x82: {  	_ =	shalt  }
0x83: {  	_ =	shalt  }
0x84: {  	_ =	shalt  }
0x85: {  	_ =	shalt  }
0x86: {  	_ =	shalt  }
0x87: {  	_ =	shalt  }
.Lfunc_end0:
.L_simem_size_0:
called_computation_lowered:
.L_overlay_start_0:
0x88: {  	s2 =	sld [smem:$0x3FD9]  }
0x89: {  	s3 =	sld [smem:$0x3FFE];
	_ =	sdelay $0x1  }
0x8a: {  	s1 =	srdreg.scid  }
0x8b: {  	s0 =	sand.u32 $0x1, s1  }
0x8c: {  	s18 =	sshll.u32 s0, $0xA;
	s2 =	sadd.s32 s3, s2  }
0x8d: {  	s2 =	sadd.s32 s2, s18  }
0x8e: {  	[smem:$0x3FC6] =	sst s2  }
0x8f: {  	_ = 	snop  }
0x90: {  	s2 =	sld [smem:$0x3FC9]  }
0x91: {  	s19 =	sld [smem:$0x3FC8]  }
0x92: {  	s4 =	sld [smem:$0x3FD0];
	(tm) =	ssettm $0x1  }
0x93: {  	s5 =	sld [smem:$0x3FFB];
	_ =	sdelay $0x3  }
0x94: {  	_ =	strace s5  }
0x95: {  	s5 =	sld [smem:$0x3FFC];
	_ =	sdelay $0x3  }
0x96: {  	_ =	strace s5  }
0x97: {  	s5 =	sld [smem:$0x3FFD];
	_ =	sdelay $0x3  }
0x98: {  	_ =	strace s5  }
0x99: {  	_ =	strace $0x8FFFFFFF  }
0x9a: {  	s20 =	sld [smem:$0x3FDB];
	_ =	sdelay $0x1  }
0x9b: {  	s6 =	simm.s32 $_scs_section_size  }
0x9c: {  	s7 =	simm.s32 $_size__tile_overlayer_lowered;
	s8 =	simm.s32 $_tile_overlayer_lowered  }
0x9d: {  	s23 =	simm.s32 $0x1BFF;
	s22 =	sshll.u32 s8, $0x1;
	s5 =	sadd.s32 s6, s20  }
0x9e: {  	s9 =	simm.s32 $0x0;
	s21 =	sshll.u32 s7, $0x1;
	s7 =	sadd.s32 s22, s5  }
0x9f: {  	[timem:s9], [sflag:s23] =	dma.local [hbm:s7], s21  }
0xa0: {  	_ =	swait.ge [sflag:s23], s21  }
0xa1: {  	s6 =	ssub.s32 $0x0, s21;
	[sflag:s23] =	ssyncset.done $0x0  }
0xa2: {  	[sflag:s23] =	ssyncadd.s32 s6;
	_ =	sdelay $0x1  }
0xa3: {  	s24 =	simm.s32 $0x1B8B  }
0xa4: {  	_ =	swait.ge [sflag:s24], $0x1  }
0xa5: {  	[sflag:s24] =	ssyncset.done $0x0  }
0xa6: {  	s25 =	simm.s32 $0x1B8E;
	[sflag:s24] =	ssyncadd.s32 $0xFFFFFFFF  }
0xa7: {  	s26 =	simm.s32 $execute0_lowered;
	[smem:$0x3FD2] =	sst s25  }
0xa8: {  	s6 =	sshll.u32 s26, $0x1;
	_ =	strace $0x80000046;
	[dreg:$0x1] =	wrdreg $0xFFFFFFFF  }
0xa9: {  	s28 =	simm.s32 $_size_execute0_lowered;
	s5 =	sadd.s32 s5, s6;
	[dreg:$0x0] =	wrdreg $0x0  }
0xaa: {  	s6 =	sshll.u32 s28, $0x1;
	[dreg:$0x2] =	wrdreg s5  }
0xab: {  	[dreg:$0x3] =	wrdreg s6  }
0xac: {  	[dreg:$0x4] =	wrdreg $0xC0  }
0xad: {  	_ =	task [dreg:s9], $0x5FFFF  }
0xae: {  	[dreg:$0x1] =	wrdreg $0xFFFFFFFF  }
0xaf: {  	[dreg:$0x0] =	wrdreg $0x60  }
0xb0: {  	[dreg:$0x2] =	wrdreg s2  }
0xb1: {  	[dreg:$0x3] =	wrdreg s19  }
0xb2: {  	[dreg:$0x4] =	wrdreg s4  }
0xb3: {  	[dreg:$0x5] =	wrdreg $0x9  }
0xb4: {  	_ =	task.clear_ibuf [dreg:s9], $0x6FFFF;
	_ =	strace $0x90000046  }
0xb5: {  	s29 =	simm.s32 $0x9;
	_ =	strace $0x80000048  }
0xb6: {  	_ =	swait.ge [sflag:s29], $0x1  }
0xb7: {  	[sflag:s29] =	ssyncadd.s32 $0xFFFFFFFF  }
0xb8: {  	_ =	strace $0x90000048  }
0xb9: {  	_ =	sfence  }
0xba: {  	s30 =	sld [smem:$0x0];
	_ =	sdelay $0x2  }
0xbb: {  	s31 =	sshll.u32 s1, $0xD;
	s1 =	sshrl.u32 s1, $0x2  }
0xbc: {  	s3 =	sand.u32 $0x4000, s31;
	s1 =	sadd.s32 s1, s30  }
0xbd: {  	s0 =	sor.u32 s3, s0;
	s1 =	sshll.u32 s1, $0x11  }
0xbe: {  	s0 =	sor.u32 s1, s0  }
0xbf: {  	s0 =	sadd.s32 $0x8F2B, s0  }
0xc0: {  	[sflag:s0] =	ssyncadd.remote.s32 $0x1  }
0xc1: {  	_ =	sfence.sel $0xFFFF  }
0xc2: {  	[dreg:$0x0] =	wrdreg $0xFFFFFFFF;
	(pc) =	sbr.abs _section_cstart, $3  }
0xc3: {  	[dreg:$0x1] =	wrdreg $0xFFFFFFFF  }
0xc4: {  	_ =	task.clear_ibuf [dreg:s9], $0x2FFFF;
	_ =	strace $0x9FFFFFFF  }
0xc5: {  	(tm) =	ssettm $0x7FFFFFFF  }
tec
execute0_lowered:
.L_overlay_start_1:
0x0: {  	(tag) =	ssettag $0x1  }
0x1: {  	s0 =	srdreg.scid  }
0x2: {  	s1 =	rddreg [dreg:$0x0];
	s5 =	stileid.u32;
	s0 =	sand.u32 $0x1, s0  }
0x3: {  	s2 =	rddreg [dreg:$0x1];
	s5 =	sshll.u32 s5, $0xA;
	s6 =	sshll.u32 s0, $0x9  }
0x4: {  	s4 =	rddreg [dreg:$0x2];
	s3 =	simm.s32 $0x0;
	s5 =	sor.u32 s6, s5  }
0x5: {  	[smem:$0x7FF] =	sst s3;
	s6 =	sshrl.u32 s5, $0x3;
	s7 =	sor.u32 $0x80, s5  }
0x6: {  	_ =	strace $0x80000047;
	s6 =	sadd.s32 s2, s6;
	s8 =	sshrl.u32 s7, $0x3  }
0x7: {  	s26 =	sshll.u32 s7, $0x7;
	[dreg:$0x4] =	wrdreg s6;
	s2 =	sadd.s32 s2, s8  }
0x8: {  	s5 =	sshll.u32 s5, $0x7;
	s28 =	sadd.s32 s4, s26;
	[dreg:$0x5] =	wrdreg s2  }
0x9: {  	s8 =	sadd.s32 s4, s5;
	[dreg:$0xd] =	wrdreg s28  }
0xa: {  	s19 =	sadd.s32 $0x800, s8;
	[smem:$0x7FB] =	sst s8  }
0xb: {  	s20 =	sadd.s32 $0x1000, s8;
	[dreg:$0x6] =	wrdreg s19  }
0xc: {  	s21 =	sadd.s32 $0x1800, s8;
	[dreg:$0x7] =	wrdreg s20  }
0xd: {  	s22 =	sadd.s32 $0x2000, s8;
	[dreg:$0x8] =	wrdreg s21  }
0xe: {  	s23 =	sadd.s32 $0x2800, s8;
	[dreg:$0x9] =	wrdreg s22  }
0xf: {  	s24 =	sadd.s32 $0x3000, s8;
	[dreg:$0xa] =	wrdreg s23  }
0x10: {  	s25 =	sadd.s32 $0x3800, s8;
	[dreg:$0xb] =	wrdreg s24  }
0x11: {  	s30 =	sadd.s32 $0x4800, s8;
	[dreg:$0xc] =	wrdreg s25  }
0x12: {  	s4 =	sadd.s32 $0x5000, s8;
	[dreg:$0xe] =	wrdreg s30  }
0x13: {  	s5 =	sadd.s32 $0x5800, s8;
	[dreg:$0xf] =	wrdreg s4  }
0x14: {  	s6 =	sadd.s32 $0x6000, s8;
	[dreg:$0x10] =	wrdreg s5  }
0x15: {  	s7 =	sadd.s32 $0x6800, s8;
	[dreg:$0x11] =	wrdreg s6  }
0x16: {  	s9 =	sadd.s32 $0x7000, s8;
	[dreg:$0x12] =	wrdreg s7  }
0x17: {  	s10 =	sadd.s32 $0x7800, s8;
	[dreg:$0x13] =	wrdreg s9  }
0x18: {  	s11 =	sadd.s32 $0x8000, s8;
	[dreg:$0x14] =	wrdreg s10  }
0x19: {  	s12 =	sadd.s32 $0x8800, s8;
	[dreg:$0x15] =	wrdreg s11  }
0x1a: {  	s13 =	sadd.s32 $0x9000, s8;
	[dreg:$0x16] =	wrdreg s12  }
0x1b: {  	s29 =	simm.s32 $0x2;
	s14 =	sadd.s32 $0x9800, s8;
	[dreg:$0x17] =	wrdreg s13  }
0x1c: {  	s31 =	simm.s32 $0x8;
	s15 =	sadd.s32 $0xA000, s8;
	[dreg:$0x18] =	wrdreg s14  }
0x1d: {  	s0 =	ssub.s32 $0x2, s0;
	s16 =	sadd.s32 $0xA800, s8;
	[dreg:$0x19] =	wrdreg s15  }
0x1e: {  	s17 =	sadd.s32 $0xB000, s8;
	s18 =	sadd.s32 $0xB800, s8;
	[dreg:$0x1a] =	wrdreg s16  }
0x1f: {  	s26 =	sadd.s32 $0xF000, s8;
	s28 =	sadd.s32 $0xF800, s8;
	[dreg:$0x1b] =	wrdreg s17  }
0x20: {  	s2 =	simm.s32 $0x1;
	[dreg:$0x1c] =	wrdreg s18;
	s19 =	sadd.s32 $0xC000, s8  }
0x21: {  	s20 =	sadd.s32 $0xC800, s8;
	s21 =	sadd.s32 $0xD000, s8;
	s22 =	sshrl.u32 s0, $0x1  }
0x22: {  	s23 =	sadd.s32 $0xD800, s8;
	s24 =	sadd.s32 $0xE000, s8;
	[smem:$0x7FA] =	sst s26  }
0x23: {  	s5 =	sadd.s32 $0x100, s1;
	s25 =	sadd.s32 $0xE800, s8;
	[smem:$0x7FC] =	sst s28  }
0x24: {  	s6 =	sadd.s32 $0x200, s1;
	s7 =	sadd.s32 $0x300, s1;
	[dreg:$0x1d] =	wrdreg s19  }
0x25: {  	s30 =	simm.s32 $0x80;
	s9 =	simm.s32 $0x7;
	[dreg:$0x1e] =	wrdreg s20  }
0x26: {  	s11 =	simm.s32 $0x9;
	s12 =	simm.s32 $0x4;
	[dreg:$0x1f] =	wrdreg s21  }
0x27: {  	s13 =	simm.s32 $0xA;
	s14 =	simm.s32 $0x5;
	[smem:$0x7F7] =	sst s23  }
0x28: {  	v2 =	vlaneseq.u32;
	s15 =	simm.s32 $0xB;
	s16 =	simm.s32 $0x6;
	[smem:$0x7F8] =	sst s24  }
0x29: {  	vm0 =	vmmov $0xffff;
	v1 =	vshrl.u32 v2, $0x3;
	s17 =	simm.s32 $0xC;
	s0 =	ssub.s32 s0, s22;
	[smem:$0x7F9] =	sst s25  }
0x2a: {  	v0 =	vand.u32 $0x7, v2;
	v2 =	vor.u32 $0x8, v2;
	v1 =	vmul.u32 $0x8, v1;
	[smem:$0x7FD] =	sst s30;
	s23 =	simm.s32 $0x3;
	s4 =	smax.u32 s0, $0x1  }
.LBB2_1:
0x2b: {  	[smem:$0x7F6] =	sst s4  }
0x2c: {  	s19 =	rddreg [dreg:$0x4];
	s21 =	simm.s32 $0xE  }
0x2d: {  	[tilespmem:s3], [sflag:$0xE] =	stream.linear.gather [hbm4b:s19+s3], $0x80, $0x38;
	[tilespmem:$0x18200] =	vst v63  }
0x2e: {  	_ =	swait.ge [sflag:s21], $0x80  }
0x2f: {  	s20 =	sld [smem:$0x7FD]  }
0x30: {  	[sflag:s21] =	ssyncset.done $0x0  }
0x31: {  	s26 =	rddreg [dreg:$0x5];
	[sflag:s21] =	ssyncadd.s32 $0xFFFFFF80  }
0x32: {  	[tilespmem:s20], [sflag:$0xD] =	stream.linear.gather [hbm4b:s26+s3], $0x180, $0x38;
	[tilespmem:$0x18200] =	vst v63  }
0x33: {  	v3 =	vld [tilespmem:$0x0];
	_ =	sdelay $0x4  }
0x34: {  	v4 =	vshll.u32 v3, $0x3  }
0x35: {  	v3 =	vand.u32 $0x7, v3;
	v4 =	vand.u32 $0xFFFFFFC0, v4  }
0x36: {  	v3 =	vor.u32 v3, v4  }
0x37: {  	v4 =	vperm.xlane v3, v0;
	_ =	sdelay $0x1  }
0x38: {  	v4 =	vadd.s32 v1, v4;
	_ =	sdelay $0x3  }
0x39: {  	s28 =	simm.s32 $0x200  }
0x3a: {  	[tilespmem:s28], [sflag:$0x1] =	stream.indirect_vreg.gather [hbm4b:s1+s3], $0x80, v4, vm0, $0xb8;
	[tilespmem:$0x18200] =	vst v63  }
0x3b: {  	s30 =	simm.s32 $0xA00;
	v3 =	vperm.xlane v3, v2  }
0x3c: {  	[tilespmem:s30], [sflag:$0x1] =	stream.indirect_vreg.gather [hbm4b:s5+s3], $0x80, v4, vm0, $0xb8;
	[tilespmem:$0x18200] =	vst v63  }
0x3d: {  	s0 =	simm.s32 $0x1200;
	v3 =	vadd.s32 v1, v3  }
0x3e: {  	[tilespmem:s0], [sflag:$0x1] =	stream.indirect_vreg.gather [hbm4b:s6+s3], $0x80, v4, vm0, $0xb8;
	[tilespmem:$0x18200] =	vst v63  }
0x3f: {  	s8 =	simm.s32 $0x1A00  }
0x40: {  	[tilespmem:s8], [sflag:$0x1] =	stream.indirect_vreg.gather [hbm4b:s7+s3], $0x80, v4, vm0, $0xb8;
	[tilespmem:$0x18200] =	vst v63  }
0x41: {  	s10 =	simm.s32 $0x2200  }
0x42: {  	[tilespmem:s10], [sflag:$0x1] =	stream.indirect_vreg.gather [hbm4b:s1+s3], $0x80, v3, vm0, $0xb8;
	[tilespmem:$0x18200] =	vst v63  }
0x43: {  	s18 =	simm.s32 $0x2A00  }
0x44: {  	[tilespmem:s18], [sflag:$0x1] =	stream.indirect_vreg.gather [hbm4b:s5+s3], $0x80, v3, vm0, $0xb8;
	[tilespmem:$0x18200] =	vst v63  }
0x45: {  	s19 =	simm.s32 $0x3200  }
0x46: {  	[tilespmem:s19], [sflag:$0x1] =	stream.indirect_vreg.gather [hbm4b:s6+s3], $0x80, v3, vm0, $0xb8;
	[tilespmem:$0x18200] =	vst v63  }
0x47: {  	s20 =	simm.s32 $0x3A00  }
0x48: {  	[tilespmem:s20], [sflag:$0x1] =	stream.indirect_vreg.gather [hbm4b:s7+s3], $0x80, v3, vm0, $0xb8;
	[tilespmem:$0x18200] =	vst v63  }
0x49: {  	v3 =	vld [tilespmem:$0x10];
	_ =	sdelay $0x4  }
0x4a: {  	v33 =	vshll.u32 v3, $0x3  }
0x4b: {  	v3 =	vand.u32 $0x7, v3;
	v4 =	vand.u32 $0xFFFFFFC0, v33  }
0x4c: {  	v3 =	vor.u32 v3, v4  }
0x4d: {  	v4 =	vperm.xlane v3, v0;
	_ =	sdelay $0x1  }
0x4e: {  	v4 =	vadd.s32 v1, v4;
	_ =	sdelay $0x3  }
0x4f: {  	s21 =	simm.s32 $0x4200  }
0x50: {  	[tilespmem:s21], [sflag:$0x2] =	stream.indirect_vreg.gather [hbm4b:s1+s3], $0x80, v4, vm0, $0xb8;
	[tilespmem:$0x18200] =	vst v63  }
0x51: {  	s30 =	simm.s32 $0x4A00;
	v3 =	vperm.xlane v3, v2  }
0x52: {  	[tilespmem:s30], [sflag:$0x2] =	stream.indirect_vreg.gather [hbm4b:s5+s3], $0x80, v4, vm0, $0xb8;
	[tilespmem:$0x18200] =	vst v63  }
0x53: {  	s0 =	simm.s32 $0x5200;
	v3 =	vadd.s32 v1, v3  }
0x54: {  	[tilespmem:s0], [sflag:$0x2] =	stream.indirect_vreg.gather [hbm4b:s6+s3], $0x80, v4, vm0, $0xb8;
	[tilespmem:$0x18200] =	vst v63  }
0x55: {  	s4 =	simm.s32 $0x5A00  }
0x56: {  	[tilespmem:s4], [sflag:$0x2] =	stream.indirect_vreg.gather [hbm4b:s7+s3], $0x80, v4, vm0, $0xb8;
	[tilespmem:$0x18200] =	vst v63  }
0x57: {  	s10 =	simm.s32 $0x6200  }
0x58: {  	[tilespmem:s10], [sflag:$0x2] =	stream.indirect_vreg.gather [hbm4b:s1+s3], $0x80, v3, vm0, $0xb8;
	[tilespmem:$0x18200] =	vst v63  }
0x59: {  	s18 =	simm.s32 $0x6A00  }
0x5a: {  	[tilespmem:s18], [sflag:$0x2] =	stream.indirect_vreg.gather [hbm4b:s5+s3], $0x80, v3, vm0, $0xb8;
	[tilespmem:$0x18200] =	vst v63  }
0x5b: {  	s20 =	simm.s32 $0x7200  }
0x5c: {  	[tilespmem:s20], [sflag:$0x2] =	stream.indirect_vreg.gather [hbm4b:s6+s3], $0x80, v3, vm0, $0xb8;
	[tilespmem:$0x18200] =	vst v63  }
0x5d: {  	s21 =	simm.s32 $0x7A00  }
0x5e: {  	[tilespmem:s21], [sflag:$0x2] =	stream.indirect_vreg.gather [hbm4b:s7+s3], $0x80, v3, vm0, $0xb8;
	[tilespmem:$0x18200] =	vst v63  }
0x5f: {  	v3 =	vld [tilespmem:$0x20];
	_ =	sdelay $0x4  }
0x60: {  	v34 =	vshll.u32 v3, $0x3  }
0x61: {  	v3 =	vand.u32 $0x7, v3;
	v4 =	vand.u32 $0xFFFFFFC0, v34  }
0x62: {  	v3 =	vor.u32 v3, v4  }
0x63: {  	v4 =	vperm.xlane v3, v0;
	_ =	sdelay $0x1  }
0x64: {  	v4 =	vadd.s32 v1, v4;
	_ =	sdelay $0x3  }
0x65: {  	s10 =	simm.s32 $0x8200  }
0x66: {  	[tilespmem:s10], [sflag:$0x3] =	stream.indirect_vreg.gather [hbm4b:s1+s3], $0x80, v4, vm0, $0xb8;
	[tilespmem:$0x18200] =	vst v63  }
0x67: {  	s30 =	simm.s32 $0x8A00;
	v3 =	vperm.xlane v3, v2  }
0x68: {  	[tilespmem:s30], [sflag:$0x3] =	stream.indirect_vreg.gather [hbm4b:s5+s3], $0x80, v4, vm0, $0xb8;
	[tilespmem:$0x18200] =	vst v63  }
0x69: {  	v3 =	vadd.s32 v1, v3;
	s10 =	simm.s32 $0x9200  }
0x6a: {  	[tilespmem:s10], [sflag:$0x3] =	stream.indirect_vreg.gather [hbm4b:s6+s3], $0x80, v4, vm0, $0xb8;
	[tilespmem:$0x18200] =	vst v63  }
0x6b: {  	s18 =	simm.s32 $0x9A00  }
0x6c: {  	[tilespmem:s18], [sflag:$0x3] =	stream.indirect_vreg.gather [hbm4b:s7+s3], $0x80, v4, vm0, $0xb8;
	[tilespmem:$0x18200] =	vst v63  }
0x6d: {  	s19 =	simm.s32 $0xA200  }
0x6e: {  	[tilespmem:s19], [sflag:$0x3] =	stream.indirect_vreg.gather [hbm4b:s1+s3], $0x80, v3, vm0, $0xb8;
	[tilespmem:$0x18200] =	vst v63  }
0x6f: {  	s21 =	simm.s32 $0xAA00  }
0x70: {  	[tilespmem:s21], [sflag:$0x3] =	stream.indirect_vreg.gather [hbm4b:s5+s3], $0x80, v3, vm0, $0xb8;
	[tilespmem:$0x18200] =	vst v63  }
0x71: {  	s10 =	simm.s32 $0xB200  }
0x72: {  	[tilespmem:s10], [sflag:$0x3] =	stream.indirect_vreg.gather [hbm4b:s6+s3], $0x80, v3, vm0, $0xb8;
	[tilespmem:$0x18200] =	vst v63  }
0x73: {  	s18 =	simm.s32 $0xBA00  }
0x74: {  	[tilespmem:s18], [sflag:$0x3] =	stream.indirect_vreg.gather [hbm4b:s7+s3], $0x80, v3, vm0, $0xb8;
	[tilespmem:$0x18200] =	vst v63  }
0x75: {  	v3 =	vld [tilespmem:$0x30];
	_ =	sdelay $0x4  }
0x76: {  	v35 =	vshll.u32 v3, $0x3  }
0x77: {  	v3 =	vand.u32 $0x7, v3;
	v4 =	vand.u32 $0xFFFFFFC0, v35  }
0x78: {  	v3 =	vor.u32 v3, v4  }
0x79: {  	v4 =	vperm.xlane v3, v0;
	_ =	sdelay $0x1  }
0x7a: {  	v4 =	vadd.s32 v1, v4;
	_ =	sdelay $0x3  }
0x7b: {  	s19 =	simm.s32 $0xC200  }
0x7c: {  	[tilespmem:s19], [sflag:$0x4] =	stream.indirect_vreg.gather [hbm4b:s1+s3], $0x80, v4, vm0, $0xb8;
	[tilespmem:$0x18200] =	vst v63  }
0x7d: {  	s4 =	simm.s32 $0xCA00;
	v3 =	vperm.xlane v3, v2  }
0x7e: {  	[tilespmem:s4], [sflag:$0x4] =	stream.indirect_vreg.gather [hbm4b:s5+s3], $0x80, v4, vm0, $0xb8;
	[tilespmem:$0x18200] =	vst v63  }
0x7f: {  	v3 =	vadd.s32 v1, v3;
	s19 =	simm.s32 $0xD200  }
0x80: {  	[tilespmem:s19], [sflag:$0x4] =	stream.indirect_vreg.gather [hbm4b:s6+s3], $0x80, v4, vm0, $0xb8;
	[tilespmem:$0x18200] =	vst v63  }
0x81: {  	s4 =	simm.s32 $0xDA00  }
0x82: {  	[tilespmem:s4], [sflag:$0x4] =	stream.indirect_vreg.gather [hbm4b:s7+s3], $0x80, v4, vm0, $0xb8;
	[tilespmem:$0x18200] =	vst v63  }
0x83: {  	s19 =	simm.s32 $0xE200  }
0x84: {  	[tilespmem:s19], [sflag:$0x4] =	stream.indirect_vreg.gather [hbm4b:s1+s3], $0x80, v3, vm0, $0xb8;
	[tilespmem:$0x18200] =	vst v63  }
0x85: {  	s4 =	simm.s32 $0xEA00  }
0x86: {  	[tilespmem:s4], [sflag:$0x4] =	stream.indirect_vreg.gather [hbm4b:s5+s3], $0x80, v3, vm0, $0xb8;
	[tilespmem:$0x18200] =	vst v63  }
0x87: {  	s19 =	simm.s32 $0xF200  }
0x88: {  	[tilespmem:s19], [sflag:$0x4] =	stream.indirect_vreg.gather [hbm4b:s6+s3], $0x80, v3, vm0, $0xb8;
	[tilespmem:$0x18200] =	vst v63  }
0x89: {  	s4 =	simm.s32 $0xFA00  }
0x8a: {  	[tilespmem:s4], [sflag:$0x4] =	stream.indirect_vreg.gather [hbm4b:s7+s3], $0x80, v3, vm0, $0xb8;
	[tilespmem:$0x18200] =	vst v63  }
0x8b: {  	v3 =	vld [tilespmem:$0x40];
	_ =	sdelay $0x4  }
0x8c: {  	v36 =	vshll.u32 v3, $0x3  }
0x8d: {  	v3 =	vand.u32 $0x7, v3;
	v4 =	vand.u32 $0xFFFFFFC0, v36  }
0x8e: {  	v3 =	vor.u32 v3, v4  }
0x8f: {  	v4 =	vperm.xlane v3, v0;
	_ =	sdelay $0x1  }
0x90: {  	v4 =	vadd.s32 v1, v4;
	_ =	sdelay $0x3  }
0x91: {  	s19 =	simm.s32 $0x10200  }
0x92: {  	[tilespmem:s19], [sflag:$0x5] =	stream.indirect_vreg.gather [hbm4b:s1+s3], $0x80, v4, vm0, $0xb8;
	[tilespmem:$0x18200] =	vst v63  }
0x93: {  	s4 =	simm.s32 $0x10A00;
	v3 =	vperm.xlane v3, v2  }
0x94: {  	[tilespmem:s4], [sflag:$0x5] =	stream.indirect_vreg.gather [hbm4b:s5+s3], $0x80, v4, vm0, $0xb8;
	[tilespmem:$0x18200] =	vst v63  }
0x95: {  	v3 =	vadd.s32 v1, v3;
	s19 =	simm.s32 $0x11200  }
0x96: {  	[tilespmem:s19], [sflag:$0x5] =	stream.indirect_vreg.gather [hbm4b:s6+s3], $0x80, v4, vm0, $0xb8;
	[tilespmem:$0x18200] =	vst v63  }
0x97: {  	s4 =	simm.s32 $0x11A00  }
0x98: {  	[tilespmem:s4], [sflag:$0x5] =	stream.indirect_vreg.gather [hbm4b:s7+s3], $0x80, v4, vm0, $0xb8;
	[tilespmem:$0x18200] =	vst v63  }
0x99: {  	s19 =	simm.s32 $0x12200  }
0x9a: {  	[tilespmem:s19], [sflag:$0x5] =	stream.indirect_vreg.gather [hbm4b:s1+s3], $0x80, v3, vm0, $0xb8;
	[tilespmem:$0x18200] =	vst v63  }
0x9b: {  	s4 =	simm.s32 $0x12A00  }
0x9c: {  	[tilespmem:s4], [sflag:$0x5] =	stream.indirect_vreg.gather [hbm4b:s5+s3], $0x80, v3, vm0, $0xb8;
	[tilespmem:$0x18200] =	vst v63  }
0x9d: {  	s19 =	simm.s32 $0x13200  }
0x9e: {  	[tilespmem:s19], [sflag:$0x5] =	stream.indirect_vreg.gather [hbm4b:s6+s3], $0x80, v3, vm0, $0xb8;
	[tilespmem:$0x18200] =	vst v63  }
0x9f: {  	s4 =	simm.s32 $0x13A00  }
0xa0: {  	[tilespmem:s4], [sflag:$0x5] =	stream.indirect_vreg.gather [hbm4b:s7+s3], $0x80, v3, vm0, $0xb8;
	[tilespmem:$0x18200] =	vst v63  }
0xa1: {  	v3 =	vld [tilespmem:$0x50];
	_ =	sdelay $0x4  }
0xa2: {  	v37 =	vshll.u32 v3, $0x3  }
0xa3: {  	v3 =	vand.u32 $0x7, v3;
	v4 =	vand.u32 $0xFFFFFFC0, v37  }
0xa4: {  	v3 =	vor.u32 v3, v4  }
0xa5: {  	v4 =	vperm.xlane v3, v0;
	_ =	sdelay $0x1  }
0xa6: {  	v4 =	vadd.s32 v1, v4;
	_ =	sdelay $0x3  }
0xa7: {  	s19 =	simm.s32 $0x14200  }
0xa8: {  	[tilespmem:s19], [sflag:$0x6] =	stream.indirect_vreg.gather [hbm4b:s1+s3], $0x80, v4, vm0, $0xb8;
	[tilespmem:$0x18200] =	vst v63  }
0xa9: {  	s10 =	simm.s32 $0x14A00;
	v3 =	vperm.xlane v3, v2  }
0xaa: {  	[tilespmem:s10], [sflag:$0x6] =	stream.indirect_vreg.gather [hbm4b:s5+s3], $0x80, v4, vm0, $0xb8;
	[tilespmem:$0x18200] =	vst v63  }
0xab: {  	s4 =	simm.s32 $0x15200;
	v3 =	vadd.s32 v1, v3  }
0xac: {  	[tilespmem:s4], [sflag:$0x6] =	stream.indirect_vreg.gather [hbm4b:s6+s3], $0x80, v4, vm0, $0xb8;
	[tilespmem:$0x18200] =	vst v63  }
0xad: {  	s10 =	simm.s32 $0x15A00  }
0xae: {  	[tilespmem:s10], [sflag:$0x6] =	stream.indirect_vreg.gather [hbm4b:s7+s3], $0x80, v4, vm0, $0xb8;
	[tilespmem:$0x18200] =	vst v63  }
0xaf: {  	s4 =	simm.s32 $0x16200  }
0xb0: {  	[tilespmem:s4], [sflag:$0x6] =	stream.indirect_vreg.gather [hbm4b:s1+s3], $0x80, v3, vm0, $0xb8;
	[tilespmem:$0x18200] =	vst v63  }
0xb1: {  	s10 =	simm.s32 $0x16A00  }
0xb2: {  	[tilespmem:s10], [sflag:$0x6] =	stream.indirect_vreg.gather [hbm4b:s5+s3], $0x80, v3, vm0, $0xb8;
	[tilespmem:$0x18200] =	vst v63  }
0xb3: {  	s4 =	simm.s32 $0x17200  }
0xb4: {  	[tilespmem:s4], [sflag:$0x6] =	stream.indirect_vreg.gather [hbm4b:s6+s3], $0x80, v3, vm0, $0xb8;
	[tilespmem:$0x18200] =	vst v63  }
0xb5: {  	s10 =	simm.s32 $0x17A00  }
0xb6: {  	[tilespmem:s10], [sflag:$0x6] =	stream.indirect_vreg.gather [hbm4b:s7+s3], $0x80, v3, vm0, $0xb8;
	[tilespmem:$0x18200] =	vst v63  }
0xb7: {  	_ =	swait.ge [sflag:s2], $0x4000  }
0xb8: {  	s4 =	sld [smem:$0x7FB]  }
0xb9: {  	[sflag:s2] =	ssyncset.done $0x0  }
0xba: {  	s10 =	simm.s32 $0x200;
	[sflag:s2] =	ssyncadd.s32 $0xFFFFC000  }
0xbb: {  	[hbm4b:s4+s3] =	stream.linear.scatter [tilespmem:s10], [sflag:$0x7], $0x4000, $0x38;
	[tilespmem:$0x18200] =	vst v63  }
0xbc: {  	_ =	swait.ge [sflag:s9], $0x4000  }
0xbd: {  	[sflag:s9] =	ssyncset.done $0x0  }
0xbe: {  	[sflag:s9] =	ssyncadd.s32 $0xFFFFC000  }
0xbf: {  	v3 =	vld [tilespmem:$0x60];
	_ =	sdelay $0x4  }
0xc0: {  	v38 =	vshll.u32 v3, $0x3  }
0xc1: {  	v3 =	vand.u32 $0x7, v3;
	v4 =	vand.u32 $0xFFFFFFC0, v38  }
0xc2: {  	v3 =	vor.u32 v3, v4  }
0xc3: {  	v4 =	vperm.xlane v3, v0;
	_ =	sdelay $0x1  }
0xc4: {  	v4 =	vadd.s32 v1, v4;
	_ =	sdelay $0x4  }
0xc5: {  	[tilespmem:s10], [sflag:$0x1] =	stream.indirect_vreg.gather [hbm4b:s1+s3], $0x80, v4, vm0, $0xb8;
	[tilespmem:$0x18200] =	vst v63  }
0xc6: {  	s26 =	simm.s32 $0xA00;
	v3 =	vperm.xlane v3, v2  }
0xc7: {  	[tilespmem:s26], [sflag:$0x1] =	stream.indirect_vreg.gather [hbm4b:s5+s3], $0x80, v4, vm0, $0xb8;
	[tilespmem:$0x18200] =	vst v63  }
0xc8: {  	s24 =	simm.s32 $0x1200;
	v3 =	vadd.s32 v1, v3  }
0xc9: {  	[tilespmem:s24], [sflag:$0x1] =	stream.indirect_vreg.gather [hbm4b:s6+s3], $0x80, v4, vm0, $0xb8;
	[tilespmem:$0x18200] =	vst v63  }
0xca: {  	s25 =	simm.s32 $0x1A00  }
0xcb: {  	[tilespmem:s25], [sflag:$0x1] =	stream.indirect_vreg.gather [hbm4b:s7+s3], $0x80, v4, vm0, $0xb8;
	[tilespmem:$0x18200] =	vst v63  }
0xcc: {  	s26 =	simm.s32 $0x2200  }
0xcd: {  	[tilespmem:s26], [sflag:$0x1] =	stream.indirect_vreg.gather [hbm4b:s1+s3], $0x80, v3, vm0, $0xb8;
	[tilespmem:$0x18200] =	vst v63  }
0xce: {  	s22 =	simm.s32 $0x2A00  }
0xcf: {  	[tilespmem:s22], [sflag:$0x1] =	stream.indirect_vreg.gather [hbm4b:s5+s3], $0x80, v3, vm0, $0xb8;
	[tilespmem:$0x18200] =	vst v63  }
0xd0: {  	s8 =	simm.s32 $0x3200  }
0xd1: {  	[tilespmem:s8], [sflag:$0x1] =	stream.indirect_vreg.gather [hbm4b:s6+s3], $0x80, v3, vm0, $0xb8;
	[tilespmem:$0x18200] =	vst v63  }
0xd2: {  	s28 =	simm.s32 $0x3A00  }
0xd3: {  	[tilespmem:s28], [sflag:$0x1] =	stream.indirect_vreg.gather [hbm4b:s7+s3], $0x80, v3, vm0, $0xb8;
	[tilespmem:$0x18200] =	vst v63  }
0xd4: {  	_ =	swait.ge [sflag:s29], $0x4000  }
0xd5: {  	[sflag:s29] =	ssyncset.done $0x0  }
0xd6: {  	s22 =	simm.s32 $0x4200;
	s10 =	rddreg [dreg:$0x6];
	[sflag:s29] =	ssyncadd.s32 $0xFFFFC000  }
0xd7: {  	[hbm4b:s10+s3] =	stream.linear.scatter [tilespmem:s22], [sflag:$0x8], $0x4000, $0x38;
	[tilespmem:$0x18200] =	vst v63  }
0xd8: {  	_ =	swait.ge [sflag:s31], $0x4000  }
0xd9: {  	[sflag:s31] =	ssyncset.done $0x0  }
0xda: {  	[sflag:s31] =	ssyncadd.s32 $0xFFFFC000  }
0xdb: {  	v3 =	vld [tilespmem:$0x70];
	_ =	sdelay $0x4  }
0xdc: {  	v39 =	vshll.u32 v3, $0x3  }
0xdd: {  	v3 =	vand.u32 $0x7, v3;
	v4 =	vand.u32 $0xFFFFFFC0, v39  }
0xde: {  	v3 =	vor.u32 v3, v4  }
0xdf: {  	v4 =	vperm.xlane v3, v0;
	_ =	sdelay $0x1  }
0xe0: {  	v4 =	vadd.s32 v1, v4;
	_ =	sdelay $0x4  }
0xe1: {  	[tilespmem:s22], [sflag:$0x2] =	stream.indirect_vreg.gather [hbm4b:s1+s3], $0x80, v4, vm0, $0xb8;
	[tilespmem:$0x18200] =	vst v63  }
0xe2: {  	s24 =	simm.s32 $0x4A00;
	v3 =	vperm.xlane v3, v2  }
0xe3: {  	[tilespmem:s24], [sflag:$0x2] =	stream.indirect_vreg.gather [hbm4b:s5+s3], $0x80, v4, vm0, $0xb8;
	[tilespmem:$0x18200] =	vst v63  }
0xe4: {  	s25 =	simm.s32 $0x5200;
	v3 =	vadd.s32 v1, v3  }
0xe5: {  	[tilespmem:s25], [sflag:$0x2] =	stream.indirect_vreg.gather [hbm4b:s6+s3], $0x80, v4, vm0, $0xb8;
	[tilespmem:$0x18200] =	vst v63  }
0xe6: {  	s26 =	simm.s32 $0x5A00  }
0xe7: {  	[tilespmem:s26], [sflag:$0x2] =	stream.indirect_vreg.gather [hbm4b:s7+s3], $0x80, v4, vm0, $0xb8;
	[tilespmem:$0x18200] =	vst v63  }
0xe8: {  	s28 =	simm.s32 $0x6200  }
0xe9: {  	[tilespmem:s28], [sflag:$0x2] =	stream.indirect_vreg.gather [hbm4b:s1+s3], $0x80, v3, vm0, $0xb8;
	[tilespmem:$0x18200] =	vst v63  }
0xea: {  	s8 =	simm.s32 $0x6A00  }
0xeb: {  	[tilespmem:s8], [sflag:$0x2] =	stream.indirect_vreg.gather [hbm4b:s5+s3], $0x80, v3, vm0, $0xb8;
	[tilespmem:$0x18200] =	vst v63  }
0xec: {  	s10 =	simm.s32 $0x7200  }
0xed: {  	[tilespmem:s10], [sflag:$0x2] =	stream.indirect_vreg.gather [hbm4b:s6+s3], $0x80, v3, vm0, $0xb8;
	[tilespmem:$0x18200] =	vst v63  }
0xee: {  	s19 =	simm.s32 $0x7A00  }
0xef: {  	[tilespmem:s19], [sflag:$0x2] =	stream.indirect_vreg.gather [hbm4b:s7+s3], $0x80, v3, vm0, $0xb8;
	[tilespmem:$0x18200] =	vst v63  }
0xf0: {  	_ =	swait.ge [sflag:s23], $0x4000  }
0xf1: {  	[sflag:s23] =	ssyncset.done $0x0  }
0xf2: {  	s0 =	simm.s32 $0x8200;
	s22 =	rddreg [dreg:$0x7];
	[sflag:s23] =	ssyncadd.s32 $0xFFFFC000  }
0xf3: {  	[hbm4b:s22+s3] =	stream.linear.scatter [tilespmem:s0], [sflag:$0x9], $0x4000, $0x38;
	[tilespmem:$0x18200] =	vst v63  }
0xf4: {  	_ =	swait.ge [sflag:s11], $0x4000  }
0xf5: {  	[sflag:s11] =	ssyncset.done $0x0  }
0xf6: {  	s24 =	simm.s32 $0xD;
	[sflag:s11] =	ssyncadd.s32 $0xFFFFC000  }
0xf7: {  	_ =	swait.ge [sflag:s24], $0x180  }
0xf8: {  	[sflag:s24] =	ssyncset.done $0x0  }
0xf9: {  	[sflag:s24] =	ssyncadd.s32 $0xFFFFFE80  }
0xfa: {  	v3 =	vld [tilespmem:$0x80];
	_ =	sdelay $0x4  }
0xfb: {  	v40 =	vshll.u32 v3, $0x3  }
0xfc: {  	v3 =	vand.u32 $0x7, v3;
	v4 =	vand.u32 $0xFFFFFFC0, v40  }
0xfd: {  	v3 =	vor.u32 v3, v4  }
0xfe: {  	v4 =	vperm.xlane v3, v0;
	_ =	sdelay $0x1  }
0xff: {  	v4 =	vadd.s32 v1, v4;
	_ =	sdelay $0x4  }
0x100: {  	[tilespmem:s0], [sflag:$0x3] =	stream.indirect_vreg.gather [hbm4b:s1+s3], $0x80, v4, vm0, $0xb8;
	[tilespmem:$0x18200] =	vst v63  }
0x101: {  	s20 =	simm.s32 $0x8A00;
	v3 =	vperm.xlane v3, v2  }
0x102: {  	[tilespmem:s20], [sflag:$0x3] =	stream.indirect_vreg.gather [hbm4b:s5+s3], $0x80, v4, vm0, $0xb8;
	[tilespmem:$0x18200] =	vst v63  }
0x103: {  	s30 =	simm.s32 $0x9200;
	v3 =	vadd.s32 v1, v3  }
0x104: {  	[tilespmem:s30], [sflag:$0x3] =	stream.indirect_vreg.gather [hbm4b:s6+s3], $0x80, v4, vm0, $0xb8;
	[tilespmem:$0x18200] =	vst v63  }
0x105: {  	s25 =	simm.s32 $0x9A00  }
0x106: {  	[tilespmem:s25], [sflag:$0x3] =	stream.indirect_vreg.gather [hbm4b:s7+s3], $0x80, v4, vm0, $0xb8;
	[tilespmem:$0x18200] =	vst v63  }
0x107: {  	s26 =	simm.s32 $0xA200  }
0x108: {  	[tilespmem:s26], [sflag:$0x3] =	stream.indirect_vreg.gather [hbm4b:s1+s3], $0x80, v3, vm0, $0xb8;
	[tilespmem:$0x18200] =	vst v63  }
0x109: {  	s21 =	simm.s32 $0xAA00  }
0x10a: {  	[tilespmem:s21], [sflag:$0x3] =	stream.indirect_vreg.gather [hbm4b:s5+s3], $0x80, v3, vm0, $0xb8;
	[tilespmem:$0x18200] =	vst v63  }
0x10b: {  	s28 =	simm.s32 $0xB200  }
0x10c: {  	[tilespmem:s28], [sflag:$0x3] =	stream.indirect_vreg.gather [hbm4b:s6+s3], $0x80, v3, vm0, $0xb8;
	[tilespmem:$0x18200] =	vst v63  }
0x10d: {  	s18 =	simm.s32 $0xBA00  }
0x10e: {  	[tilespmem:s18], [sflag:$0x3] =	stream.indirect_vreg.gather [hbm4b:s7+s3], $0x80, v3, vm0, $0xb8;
	[tilespmem:$0x18200] =	vst v63  }
0x10f: {  	_ =	swait.ge [sflag:s12], $0x4000  }
0x110: {  	[sflag:s12] =	ssyncset.done $0x0  }
0x111: {  	s0 =	simm.s32 $0xC200;
	s30 =	rddreg [dreg:$0x8];
	[sflag:s12] =	ssyncadd.s32 $0xFFFFC000  }
0x112: {  	[hbm4b:s30+s3] =	stream.linear.scatter [tilespmem:s0], [sflag:$0xA], $0x4000, $0x38;
	[tilespmem:$0x18200] =	vst v63  }
0x113: {  	_ =	swait.ge [sflag:s13], $0x4000  }
0x114: {  	[sflag:s13] =	ssyncset.done $0x0  }
0x115: {  	[sflag:s13] =	ssyncadd.s32 $0xFFFFC000  }
0x116: {  	v3 =	vld [tilespmem:$0x90];
	_ =	sdelay $0x4  }
0x117: {  	v41 =	vshll.u32 v3, $0x3  }
0x118: {  	v3 =	vand.u32 $0x7, v3;
	v4 =	vand.u32 $0xFFFFFFC0, v41  }
0x119: {  	v3 =	vor.u32 v3, v4  }
0x11a: {  	v4 =	vperm.xlane v3, v0;
	_ =	sdelay $0x1  }
0x11b: {  	v4 =	vadd.s32 v1, v4;
	_ =	sdelay $0x4  }
0x11c: {  	[tilespmem:s0], [sflag:$0x4] =	stream.indirect_vreg.gather [hbm4b:s1+s3], $0x80, v4, vm0, $0xb8;
	[tilespmem:$0x18200] =	vst v63  }
0x11d: {  	s8 =	simm.s32 $0xCA00;
	v3 =	vperm.xlane v3, v2  }
0x11e: {  	[tilespmem:s8], [sflag:$0x4] =	stream.indirect_vreg.gather [hbm4b:s5+s3], $0x80, v4, vm0, $0xb8;
	[tilespmem:$0x18200] =	vst v63  }
0x11f: {  	s30 =	simm.s32 $0xD200;
	v3 =	vadd.s32 v1, v3  }
0x120: {  	[tilespmem:s30], [sflag:$0x4] =	stream.indirect_vreg.gather [hbm4b:s6+s3], $0x80, v4, vm0, $0xb8;
	[tilespmem:$0x18200] =	vst v63  }
0x121: {  	s10 =	simm.s32 $0xDA00  }
0x122: {  	[tilespmem:s10], [sflag:$0x4] =	stream.indirect_vreg.gather [hbm4b:s7+s3], $0x80, v4, vm0, $0xb8;
	[tilespmem:$0x18200] =	vst v63  }
0x123: {  	s8 =	simm.s32 $0xE200  }
0x124: {  	[tilespmem:s8], [sflag:$0x4] =	stream.indirect_vreg.gather [hbm4b:s1+s3], $0x80, v3, vm0, $0xb8;
	[tilespmem:$0x18200] =	vst v63  }
0x125: {  	s10 =	simm.s32 $0xEA00  }
0x126: {  	[tilespmem:s10], [sflag:$0x4] =	stream.indirect_vreg.gather [hbm4b:s5+s3], $0x80, v3, vm0, $0xb8;
	[tilespmem:$0x18200] =	vst v63  }
0x127: {  	s18 =	simm.s32 $0xF200  }
0x128: {  	[tilespmem:s18], [sflag:$0x4] =	stream.indirect_vreg.gather [hbm4b:s6+s3], $0x80, v3, vm0, $0xb8;
	[tilespmem:$0x18200] =	vst v63  }
0x129: {  	s19 =	simm.s32 $0xFA00  }
0x12a: {  	[tilespmem:s19], [sflag:$0x4] =	stream.indirect_vreg.gather [hbm4b:s7+s3], $0x80, v3, vm0, $0xb8;
	[tilespmem:$0x18200] =	vst v63  }
0x12b: {  	_ =	swait.ge [sflag:s14], $0x4000  }
0x12c: {  	[sflag:s14] =	ssyncset.done $0x0  }
0x12d: {  	s21 =	simm.s32 $0x10200;
	s20 =	rddreg [dreg:$0x9];
	[sflag:s14] =	ssyncadd.s32 $0xFFFFC000  }
0x12e: {  	[hbm4b:s20+s3] =	stream.linear.scatter [tilespmem:s21], [sflag:$0xB], $0x4000, $0x38;
	[tilespmem:$0x18200] =	vst v63  }
0x12f: {  	_ =	swait.ge [sflag:s15], $0x4000  }
0x130: {  	[sflag:s15] =	ssyncset.done $0x0  }
0x131: {  	[sflag:s15] =	ssyncadd.s32 $0xFFFFC000  }
0x132: {  	v3 =	vld [tilespmem:$0xA0];
	_ =	sdelay $0x4  }
0x133: {  	v42 =	vshll.u32 v3, $0x3  }
0x134: {  	v3 =	vand.u32 $0x7, v3;
	v4 =	vand.u32 $0xFFFFFFC0, v42  }
0x135: {  	v3 =	vor.u32 v3, v4  }
0x136: {  	v4 =	vperm.xlane v3, v0;
	_ =	sdelay $0x1  }
0x137: {  	v4 =	vadd.s32 v1, v4;
	_ =	sdelay $0x4  }
0x138: {  	[tilespmem:s21], [sflag:$0x5] =	stream.indirect_vreg.gather [hbm4b:s1+s3], $0x80, v4, vm0, $0xb8;
	[tilespmem:$0x18200] =	vst v63  }
0x139: {  	s28 =	simm.s32 $0x10A00;
	v3 =	vperm.xlane v3, v2  }
0x13a: {  	[tilespmem:s28], [sflag:$0x5] =	stream.indirect_vreg.gather [hbm4b:s5+s3], $0x80, v4, vm0, $0xb8;
	[tilespmem:$0x18200] =	vst v63  }
0x13b: {  	s20 =	simm.s32 $0x11200;
	v3 =	vadd.s32 v1, v3  }
0x13c: {  	[tilespmem:s20], [sflag:$0x5] =	stream.indirect_vreg.gather [hbm4b:s6+s3], $0x80, v4, vm0, $0xb8;
	[tilespmem:$0x18200] =	vst v63  }
0x13d: {  	s21 =	simm.s32 $0x11A00  }
0x13e: {  	[tilespmem:s21], [sflag:$0x5] =	stream.indirect_vreg.gather [hbm4b:s7+s3], $0x80, v4, vm0, $0xb8;
	[tilespmem:$0x18200] =	vst v63  }
0x13f: {  	s24 =	simm.s32 $0x12200  }
0x140: {  	[tilespmem:s24], [sflag:$0x5] =	stream.indirect_vreg.gather [hbm4b:s1+s3], $0x80, v3, vm0, $0xb8;
	[tilespmem:$0x18200] =	vst v63  }
0x141: {  	s25 =	simm.s32 $0x12A00  }
0x142: {  	[tilespmem:s25], [sflag:$0x5] =	stream.indirect_vreg.gather [hbm4b:s5+s3], $0x80, v3, vm0, $0xb8;
	[tilespmem:$0x18200] =	vst v63  }
0x143: {  	s26 =	simm.s32 $0x13200  }
0x144: {  	[tilespmem:s26], [sflag:$0x5] =	stream.indirect_vreg.gather [hbm4b:s6+s3], $0x80, v3, vm0, $0xb8;
	[tilespmem:$0x18200] =	vst v63  }
0x145: {  	s22 =	simm.s32 $0x13A00  }
0x146: {  	[tilespmem:s22], [sflag:$0x5] =	stream.indirect_vreg.gather [hbm4b:s7+s3], $0x80, v3, vm0, $0xb8;
	[tilespmem:$0x18200] =	vst v63  }
0x147: {  	_ =	swait.ge [sflag:s16], $0x4000  }
0x148: {  	[sflag:s16] =	ssyncset.done $0x0  }
0x149: {  	s4 =	simm.s32 $0x14200;
	s0 =	rddreg [dreg:$0xa];
	[sflag:s16] =	ssyncadd.s32 $0xFFFFC000  }
0x14a: {  	[hbm4b:s0+s3] =	stream.linear.scatter [tilespmem:s4], [sflag:$0xC], $0x4000, $0x38;
	[tilespmem:$0x18200] =	vst v63  }
0x14b: {  	_ =	swait.ge [sflag:s17], $0x4000  }
0x14c: {  	[sflag:s17] =	ssyncset.done $0x0  }
0x14d: {  	[sflag:s17] =	ssyncadd.s32 $0xFFFFC000  }
0x14e: {  	v3 =	vld [tilespmem:$0xB0];
	_ =	sdelay $0x4  }
0x14f: {  	v43 =	vshll.u32 v3, $0x3  }
0x150: {  	v3 =	vand.u32 $0x7, v3;
	v4 =	vand.u32 $0xFFFFFFC0, v43  }
0x151: {  	v3 =	vor.u32 v3, v4  }
0x152: {  	v4 =	vperm.xlane v3, v0;
	_ =	sdelay $0x1  }
0x153: {  	v4 =	vadd.s32 v1, v4;
	_ =	sdelay $0x4  }
0x154: {  	[tilespmem:s4], [sflag:$0x6] =	stream.indirect_vreg.gather [hbm4b:s1+s3], $0x80, v4, vm0, $0xb8;
	[tilespmem:$0x18200] =	vst v63  }
0x155: {  	s18 =	simm.s32 $0x14A00;
	v3 =	vperm.xlane v3, v2  }
0x156: {  	[tilespmem:s18], [sflag:$0x6] =	stream.indirect_vreg.gather [hbm4b:s5+s3], $0x80, v4, vm0, $0xb8;
	[tilespmem:$0x18200] =	vst v63  }
0x157: {  	s19 =	simm.s32 $0x15200;
	v3 =	vadd.s32 v1, v3  }
0x158: {  	[tilespmem:s19], [sflag:$0x6] =	stream.indirect_vreg.gather [hbm4b:s6+s3], $0x80, v4, vm0, $0xb8;
	[tilespmem:$0x18200] =	vst v63  }
0x159: {  	s22 =	simm.s32 $0x15A00  }
0x15a: {  	[tilespmem:s22], [sflag:$0x6] =	stream.indirect_vreg.gather [hbm4b:s7+s3], $0x80, v4, vm0, $0xb8;
	[tilespmem:$0x18200] =	vst v63  }
0x15b: {  	s4 =	simm.s32 $0x16200  }
0x15c: {  	[tilespmem:s4], [sflag:$0x6] =	stream.indirect_vreg.gather [hbm4b:s1+s3], $0x80, v3, vm0, $0xb8;
	[tilespmem:$0x18200] =	vst v63  }
0x15d: {  	s18 =	simm.s32 $0x16A00  }
0x15e: {  	[tilespmem:s18], [sflag:$0x6] =	stream.indirect_vreg.gather [hbm4b:s5+s3], $0x80, v3, vm0, $0xb8;
	[tilespmem:$0x18200] =	vst v63  }
0x15f: {  	s19 =	simm.s32 $0x17200  }
0x160: {  	[tilespmem:s19], [sflag:$0x6] =	stream.indirect_vreg.gather [hbm4b:s6+s3], $0x80, v3, vm0, $0xb8;
	[tilespmem:$0x18200] =	vst v63  }
0x161: {  	s22 =	simm.s32 $0x17A00  }
0x162: {  	[tilespmem:s22], [sflag:$0x6] =	stream.indirect_vreg.gather [hbm4b:s7+s3], $0x80, v3, vm0, $0xb8;
	[tilespmem:$0x18200] =	vst v63  }
0x163: {  	_ =	swait.ge [sflag:s2], $0x4000  }
0x164: {  	[sflag:s2] =	ssyncset.done $0x0  }
0x165: {  	s4 =	simm.s32 $0x200;
	s0 =	rddreg [dreg:$0xb];
	[sflag:s2] =	ssyncadd.s32 $0xFFFFC000  }
0x166: {  	[hbm4b:s0+s3] =	stream.linear.scatter [tilespmem:s4], [sflag:$0x7], $0x4000, $0x38;
	[tilespmem:$0x18200] =	vst v63  }
0x167: {  	_ =	swait.ge [sflag:s9], $0x4000  }
0x168: {  	[sflag:s9] =	ssyncset.done $0x0  }
0x169: {  	[sflag:s9] =	ssyncadd.s32 $0xFFFFC000  }
0x16a: {  	v3 =	vld [tilespmem:$0xC0];
	_ =	sdelay $0x4  }
0x16b: {  	v44 =	vshll.u32 v3, $0x3  }
0x16c: {  	v3 =	vand.u32 $0x7, v3;
	v4 =	vand.u32 $0xFFFFFFC0, v44  }
0x16d: {  	v3 =	vor.u32 v3, v4  }
0x16e: {  	v4 =	vperm.xlane v3, v0;
	_ =	sdelay $0x1  }
0x16f: {  	v4 =	vadd.s32 v1, v4;
	_ =	sdelay $0x4  }
0x170: {  	[tilespmem:s4], [sflag:$0x1] =	stream.indirect_vreg.gather [hbm4b:s1+s3], $0x80, v4, vm0, $0xb8;
	[tilespmem:$0x18200] =	vst v63  }
0x171: {  	s18 =	simm.s32 $0xA00;
	v3 =	vperm.xlane v3, v2  }
0x172: {  	[tilespmem:s18], [sflag:$0x1] =	stream.indirect_vreg.gather [hbm4b:s5+s3], $0x80, v4, vm0, $0xb8;
	[tilespmem:$0x18200] =	vst v63  }
0x173: {  	s19 =	simm.s32 $0x1200;
	v3 =	vadd.s32 v1, v3  }
0x174: {  	[tilespmem:s19], [sflag:$0x1] =	stream.indirect_vreg.gather [hbm4b:s6+s3], $0x80, v4, vm0, $0xb8;
	[tilespmem:$0x18200] =	vst v63  }
0x175: {  	s22 =	simm.s32 $0x1A00  }
0x176: {  	[tilespmem:s22], [sflag:$0x1] =	stream.indirect_vreg.gather [hbm4b:s7+s3], $0x80, v4, vm0, $0xb8;
	[tilespmem:$0x18200] =	vst v63  }
0x177: {  	s4 =	simm.s32 $0x2200  }
0x178: {  	[tilespmem:s4], [sflag:$0x1] =	stream.indirect_vreg.gather [hbm4b:s1+s3], $0x80, v3, vm0, $0xb8;
	[tilespmem:$0x18200] =	vst v63  }
0x179: {  	s18 =	simm.s32 $0x2A00  }
0x17a: {  	[tilespmem:s18], [sflag:$0x1] =	stream.indirect_vreg.gather [hbm4b:s5+s3], $0x80, v3, vm0, $0xb8;
	[tilespmem:$0x18200] =	vst v63  }
0x17b: {  	s19 =	simm.s32 $0x3200  }
0x17c: {  	[tilespmem:s19], [sflag:$0x1] =	stream.indirect_vreg.gather [hbm4b:s6+s3], $0x80, v3, vm0, $0xb8;
	[tilespmem:$0x18200] =	vst v63  }
0x17d: {  	s22 =	simm.s32 $0x3A00  }
0x17e: {  	[tilespmem:s22], [sflag:$0x1] =	stream.indirect_vreg.gather [hbm4b:s7+s3], $0x80, v3, vm0, $0xb8;
	[tilespmem:$0x18200] =	vst v63  }
0x17f: {  	_ =	swait.ge [sflag:s29], $0x4000  }
0x180: {  	[sflag:s29] =	ssyncset.done $0x0  }
0x181: {  	s4 =	simm.s32 $0x4200;
	s0 =	rddreg [dreg:$0xc];
	[sflag:s29] =	ssyncadd.s32 $0xFFFFC000  }
0x182: {  	[hbm4b:s0+s3] =	stream.linear.scatter [tilespmem:s4], [sflag:$0x8], $0x4000, $0x38;
	[tilespmem:$0x18200] =	vst v63  }
0x183: {  	_ =	swait.ge [sflag:s31], $0x4000  }
0x184: {  	[sflag:s31] =	ssyncset.done $0x0  }
0x185: {  	[sflag:s31] =	ssyncadd.s32 $0xFFFFC000  }
0x186: {  	v3 =	vld [tilespmem:$0xD0];
	_ =	sdelay $0x4  }
0x187: {  	v45 =	vshll.u32 v3, $0x3  }
0x188: {  	v3 =	vand.u32 $0x7, v3;
	v4 =	vand.u32 $0xFFFFFFC0, v45  }
0x189: {  	v3 =	vor.u32 v3, v4  }
0x18a: {  	v4 =	vperm.xlane v3, v0;
	_ =	sdelay $0x1  }
0x18b: {  	v4 =	vadd.s32 v1, v4;
	_ =	sdelay $0x4  }
0x18c: {  	[tilespmem:s4], [sflag:$0x2] =	stream.indirect_vreg.gather [hbm4b:s1+s3], $0x80, v4, vm0, $0xb8;
	[tilespmem:$0x18200] =	vst v63  }
0x18d: {  	s18 =	simm.s32 $0x4A00;
	v3 =	vperm.xlane v3, v2  }
0x18e: {  	[tilespmem:s18], [sflag:$0x2] =	stream.indirect_vreg.gather [hbm4b:s5+s3], $0x80, v4, vm0, $0xb8;
	[tilespmem:$0x18200] =	vst v63  }
0x18f: {  	s19 =	simm.s32 $0x5200;
	v3 =	vadd.s32 v1, v3  }
0x190: {  	[tilespmem:s19], [sflag:$0x2] =	stream.indirect_vreg.gather [hbm4b:s6+s3], $0x80, v4, vm0, $0xb8;
	[tilespmem:$0x18200] =	vst v63  }
0x191: {  	s22 =	simm.s32 $0x5A00  }
0x192: {  	[tilespmem:s22], [sflag:$0x2] =	stream.indirect_vreg.gather [hbm4b:s7+s3], $0x80, v4, vm0, $0xb8;
	[tilespmem:$0x18200] =	vst v63  }
0x193: {  	s4 =	simm.s32 $0x6200  }
0x194: {  	[tilespmem:s4], [sflag:$0x2] =	stream.indirect_vreg.gather [hbm4b:s1+s3], $0x80, v3, vm0, $0xb8;
	[tilespmem:$0x18200] =	vst v63  }
0x195: {  	s18 =	simm.s32 $0x6A00  }
0x196: {  	[tilespmem:s18], [sflag:$0x2] =	stream.indirect_vreg.gather [hbm4b:s5+s3], $0x80, v3, vm0, $0xb8;
	[tilespmem:$0x18200] =	vst v63  }
0x197: {  	s19 =	simm.s32 $0x7200  }
0x198: {  	[tilespmem:s19], [sflag:$0x2] =	stream.indirect_vreg.gather [hbm4b:s6+s3], $0x80, v3, vm0, $0xb8;
	[tilespmem:$0x18200] =	vst v63  }
0x199: {  	s22 =	simm.s32 $0x7A00  }
0x19a: {  	[tilespmem:s22], [sflag:$0x2] =	stream.indirect_vreg.gather [hbm4b:s7+s3], $0x80, v3, vm0, $0xb8;
	[tilespmem:$0x18200] =	vst v63  }
0x19b: {  	_ =	swait.ge [sflag:s23], $0x4000  }
0x19c: {  	[sflag:s23] =	ssyncset.done $0x0  }
0x19d: {  	s18 =	simm.s32 $0x8200;
	s4 =	rddreg [dreg:$0xd];
	[sflag:s23] =	ssyncadd.s32 $0xFFFFC000  }
0x19e: {  	[hbm4b:s4+s3] =	stream.linear.scatter [tilespmem:s18], [sflag:$0x9], $0x4000, $0x38;
	[tilespmem:$0x18200] =	vst v63  }
0x19f: {  	_ =	swait.ge [sflag:s11], $0x4000  }
0x1a0: {  	[sflag:s11] =	ssyncset.done $0x0  }
0x1a1: {  	[sflag:s11] =	ssyncadd.s32 $0xFFFFC000  }
0x1a2: {  	v3 =	vld [tilespmem:$0xE0];
	_ =	sdelay $0x4  }
0x1a3: {  	v46 =	vshll.u32 v3, $0x3  }
0x1a4: {  	v3 =	vand.u32 $0x7, v3;
	v4 =	vand.u32 $0xFFFFFFC0, v46  }
0x1a5: {  	v3 =	vor.u32 v3, v4  }
0x1a6: {  	v4 =	vperm.xlane v3, v0;
	_ =	sdelay $0x1  }
0x1a7: {  	v4 =	vadd.s32 v1, v4;
	_ =	sdelay $0x4  }
0x1a8: {  	[tilespmem:s18], [sflag:$0x3] =	stream.indirect_vreg.gather [hbm4b:s1+s3], $0x80, v4, vm0, $0xb8;
	[tilespmem:$0x18200] =	vst v63  }
0x1a9: {  	s22 =	simm.s32 $0x8A00;
	v3 =	vperm.xlane v3, v2  }
0x1aa: {  	[tilespmem:s22], [sflag:$0x3] =	stream.indirect_vreg.gather [hbm4b:s5+s3], $0x80, v4, vm0, $0xb8;
	[tilespmem:$0x18200] =	vst v63  }
0x1ab: {  	s0 =	simm.s32 $0x9200;
	v3 =	vadd.s32 v1, v3  }
0x1ac: {  	[tilespmem:s0], [sflag:$0x3] =	stream.indirect_vreg.gather [hbm4b:s6+s3], $0x80, v4, vm0, $0xb8;
	[tilespmem:$0x18200] =	vst v63  }
0x1ad: {  	s19 =	simm.s32 $0x9A00  }
0x1ae: {  	[tilespmem:s19], [sflag:$0x3] =	stream.indirect_vreg.gather [hbm4b:s7+s3], $0x80, v4, vm0, $0xb8;
	[tilespmem:$0x18200] =	vst v63  }
0x1af: {  	s22 =	simm.s32 $0xA200  }
0x1b0: {  	[tilespmem:s22], [sflag:$0x3] =	stream.indirect_vreg.gather [hbm4b:s1+s3], $0x80, v3, vm0, $0xb8;
	[tilespmem:$0x18200] =	vst v63  }
0x1b1: {  	s18 =	simm.s32 $0xAA00  }
0x1b2: {  	[tilespmem:s18], [sflag:$0x3] =	stream.indirect_vreg.gather [hbm4b:s5+s3], $0x80, v3, vm0, $0xb8;
	[tilespmem:$0x18200] =	vst v63  }
0x1b3: {  	s19 =	simm.s32 $0xB200  }
0x1b4: {  	[tilespmem:s19], [sflag:$0x3] =	stream.indirect_vreg.gather [hbm4b:s6+s3], $0x80, v3, vm0, $0xb8;
	[tilespmem:$0x18200] =	vst v63  }
0x1b5: {  	s22 =	simm.s32 $0xBA00  }
0x1b6: {  	[tilespmem:s22], [sflag:$0x3] =	stream.indirect_vreg.gather [hbm4b:s7+s3], $0x80, v3, vm0, $0xb8;
	[tilespmem:$0x18200] =	vst v63  }
0x1b7: {  	_ =	swait.ge [sflag:s12], $0x4000  }
0x1b8: {  	[sflag:s12] =	ssyncset.done $0x0  }
0x1b9: {  	s22 =	simm.s32 $0xC200;
	s18 =	rddreg [dreg:$0xe];
	[sflag:s12] =	ssyncadd.s32 $0xFFFFC000  }
0x1ba: {  	[hbm4b:s18+s3] =	stream.linear.scatter [tilespmem:s22], [sflag:$0xA], $0x4000, $0x38;
	[tilespmem:$0x18200] =	vst v63  }
0x1bb: {  	_ =	swait.ge [sflag:s13], $0x4000  }
0x1bc: {  	[sflag:s13] =	ssyncset.done $0x0  }
0x1bd: {  	[sflag:s13] =	ssyncadd.s32 $0xFFFFC000  }
0x1be: {  	v3 =	vld [tilespmem:$0xF0];
	_ =	sdelay $0x4  }
0x1bf: {  	v47 =	vshll.u32 v3, $0x3  }
0x1c0: {  	v3 =	vand.u32 $0x7, v3;
	v4 =	vand.u32 $0xFFFFFFC0, v47  }
0x1c1: {  	v3 =	vor.u32 v3, v4  }
0x1c2: {  	v4 =	vperm.xlane v3, v0;
	_ =	sdelay $0x1  }
0x1c3: {  	v4 =	vadd.s32 v1, v4;
	_ =	sdelay $0x4  }
0x1c4: {  	[tilespmem:s22], [sflag:$0x4] =	stream.indirect_vreg.gather [hbm4b:s1+s3], $0x80, v4, vm0, $0xb8;
	[tilespmem:$0x18200] =	vst v63  }
0x1c5: {  	s18 =	simm.s32 $0xCA00;
	v3 =	vperm.xlane v3, v2  }
0x1c6: {  	[tilespmem:s18], [sflag:$0x4] =	stream.indirect_vreg.gather [hbm4b:s5+s3], $0x80, v4, vm0, $0xb8;
	[tilespmem:$0x18200] =	vst v63  }
0x1c7: {  	v3 =	vadd.s32 v1, v3  }
0x1c8: {  	[tilespmem:s30], [sflag:$0x4] =	stream.indirect_vreg.gather [hbm4b:s6+s3], $0x80, v4, vm0, $0xb8;
	[tilespmem:$0x18200] =	vst v63  }
0x1c9: {  	s22 =	simm.s32 $0xDA00  }
0x1ca: {  	[tilespmem:s22], [sflag:$0x4] =	stream.indirect_vreg.gather [hbm4b:s7+s3], $0x80, v4, vm0, $0xb8;
	[tilespmem:$0x18200] =	vst v63  }
0x1cb: {  	_ = 	snop  }
0x1cc: {  	[tilespmem:s8], [sflag:$0x4] =	stream.indirect_vreg.gather [hbm4b:s1+s3], $0x80, v3, vm0, $0xb8;
	[tilespmem:$0x18200] =	vst v63  }
0x1cd: {  	_ = 	snop  }
0x1ce: {  	[tilespmem:s10], [sflag:$0x4] =	stream.indirect_vreg.gather [hbm4b:s5+s3], $0x80, v3, vm0, $0xb8;
	[tilespmem:$0x18200] =	vst v63  }
0x1cf: {  	s22 =	simm.s32 $0xF200  }
0x1d0: {  	[tilespmem:s22], [sflag:$0x4] =	stream.indirect_vreg.gather [hbm4b:s6+s3], $0x80, v3, vm0, $0xb8;
	[tilespmem:$0x18200] =	vst v63  }
0x1d1: {  	s30 =	simm.s32 $0xFA00  }
0x1d2: {  	[tilespmem:s30], [sflag:$0x4] =	stream.indirect_vreg.gather [hbm4b:s7+s3], $0x80, v3, vm0, $0xb8;
	[tilespmem:$0x18200] =	vst v63  }
0x1d3: {  	_ =	swait.ge [sflag:s14], $0x4000  }
0x1d4: {  	[sflag:s14] =	ssyncset.done $0x0  }
0x1d5: {  	s18 =	simm.s32 $0x10200;
	s10 =	rddreg [dreg:$0xf];
	[sflag:s14] =	ssyncadd.s32 $0xFFFFC000  }
0x1d6: {  	[hbm4b:s10+s3] =	stream.linear.scatter [tilespmem:s18], [sflag:$0xB], $0x4000, $0x38;
	[tilespmem:$0x18200] =	vst v63  }
0x1d7: {  	_ =	swait.ge [sflag:s15], $0x4000  }
0x1d8: {  	[sflag:s15] =	ssyncset.done $0x0  }
0x1d9: {  	[sflag:s15] =	ssyncadd.s32 $0xFFFFC000  }
0x1da: {  	v3 =	vld [tilespmem:$0x100];
	_ =	sdelay $0x4  }
0x1db: {  	v48 =	vshll.u32 v3, $0x3  }
0x1dc: {  	v3 =	vand.u32 $0x7, v3;
	v4 =	vand.u32 $0xFFFFFFC0, v48  }
0x1dd: {  	v3 =	vor.u32 v3, v4  }
0x1de: {  	v4 =	vperm.xlane v3, v0;
	_ =	sdelay $0x1  }
0x1df: {  	v4 =	vadd.s32 v1, v4;
	_ =	sdelay $0x4  }
0x1e0: {  	[tilespmem:s18], [sflag:$0x5] =	stream.indirect_vreg.gather [hbm4b:s1+s3], $0x80, v4, vm0, $0xb8;
	[tilespmem:$0x18200] =	vst v63  }
0x1e1: {  	v3 =	vperm.xlane v3, v2  }
0x1e2: {  	[tilespmem:s28], [sflag:$0x5] =	stream.indirect_vreg.gather [hbm4b:s5+s3], $0x80, v4, vm0, $0xb8;
	[tilespmem:$0x18200] =	vst v63  }
0x1e3: {  	v3 =	vadd.s32 v1, v3  }
0x1e4: {  	[tilespmem:s20], [sflag:$0x5] =	stream.indirect_vreg.gather [hbm4b:s6+s3], $0x80, v4, vm0, $0xb8;
	[tilespmem:$0x18200] =	vst v63  }
0x1e5: {  	_ = 	snop  }
0x1e6: {  	[tilespmem:s21], [sflag:$0x5] =	stream.indirect_vreg.gather [hbm4b:s7+s3], $0x80, v4, vm0, $0xb8;
	[tilespmem:$0x18200] =	vst v63  }
0x1e7: {  	_ = 	snop  }
0x1e8: {  	[tilespmem:s24], [sflag:$0x5] =	stream.indirect_vreg.gather [hbm4b:s1+s3], $0x80, v3, vm0, $0xb8;
	[tilespmem:$0x18200] =	vst v63  }
0x1e9: {  	_ = 	snop  }
0x1ea: {  	[tilespmem:s25], [sflag:$0x5] =	stream.indirect_vreg.gather [hbm4b:s5+s3], $0x80, v3, vm0, $0xb8;
	[tilespmem:$0x18200] =	vst v63  }
0x1eb: {  	_ = 	snop  }
0x1ec: {  	[tilespmem:s26], [sflag:$0x5] =	stream.indirect_vreg.gather [hbm4b:s6+s3], $0x80, v3, vm0, $0xb8;
	[tilespmem:$0x18200] =	vst v63  }
0x1ed: {  	s21 =	simm.s32 $0x13A00  }
0x1ee: {  	[tilespmem:s21], [sflag:$0x5] =	stream.indirect_vreg.gather [hbm4b:s7+s3], $0x80, v3, vm0, $0xb8;
	[tilespmem:$0x18200] =	vst v63  }
0x1ef: {  	_ =	swait.ge [sflag:s16], $0x4000  }
0x1f0: {  	[sflag:s16] =	ssyncset.done $0x0  }
0x1f1: {  	s30 =	simm.s32 $0x14200;
	s28 =	rddreg [dreg:$0x10];
	[sflag:s16] =	ssyncadd.s32 $0xFFFFC000  }
0x1f2: {  	[hbm4b:s28+s3] =	stream.linear.scatter [tilespmem:s30], [sflag:$0xC], $0x4000, $0x38;
	[tilespmem:$0x18200] =	vst v63  }
0x1f3: {  	_ =	swait.ge [sflag:s17], $0x4000  }
0x1f4: {  	[sflag:s17] =	ssyncset.done $0x0  }
0x1f5: {  	[sflag:s17] =	ssyncadd.s32 $0xFFFFC000  }
0x1f6: {  	v3 =	vld [tilespmem:$0x110];
	_ =	sdelay $0x4  }
0x1f7: {  	v49 =	vshll.u32 v3, $0x3  }
0x1f8: {  	v3 =	vand.u32 $0x7, v3;
	v4 =	vand.u32 $0xFFFFFFC0, v49  }
0x1f9: {  	v3 =	vor.u32 v3, v4  }
0x1fa: {  	v4 =	vperm.xlane v3, v0;
	_ =	sdelay $0x1  }
0x1fb: {  	v4 =	vadd.s32 v1, v4;
	_ =	sdelay $0x4  }
0x1fc: {  	[tilespmem:s30], [sflag:$0x6] =	stream.indirect_vreg.gather [hbm4b:s1+s3], $0x80, v4, vm0, $0xb8;
	[tilespmem:$0x18200] =	vst v63  }
0x1fd: {  	s18 =	simm.s32 $0x14A00;
	v3 =	vperm.xlane v3, v2  }
0x1fe: {  	[tilespmem:s18], [sflag:$0x6] =	stream.indirect_vreg.gather [hbm4b:s5+s3], $0x80, v4, vm0, $0xb8;
	[tilespmem:$0x18200] =	vst v63  }
0x1ff: {  	v3 =	vadd.s32 v1, v3;
	s30 =	simm.s32 $0x15200  }
0x200: {  	[tilespmem:s30], [sflag:$0x6] =	stream.indirect_vreg.gather [hbm4b:s6+s3], $0x80, v4, vm0, $0xb8;
	[tilespmem:$0x18200] =	vst v63  }
0x201: {  	s19 =	simm.s32 $0x15A00  }
0x202: {  	[tilespmem:s19], [sflag:$0x6] =	stream.indirect_vreg.gather [hbm4b:s7+s3], $0x80, v4, vm0, $0xb8;
	[tilespmem:$0x18200] =	vst v63  }
0x203: {  	s24 =	simm.s32 $0x16200  }
0x204: {  	[tilespmem:s24], [sflag:$0x6] =	stream.indirect_vreg.gather [hbm4b:s1+s3], $0x80, v3, vm0, $0xb8;
	[tilespmem:$0x18200] =	vst v63  }
0x205: {  	s25 =	simm.s32 $0x16A00  }
0x206: {  	[tilespmem:s25], [sflag:$0x6] =	stream.indirect_vreg.gather [hbm4b:s5+s3], $0x80, v3, vm0, $0xb8;
	[tilespmem:$0x18200] =	vst v63  }
0x207: {  	s26 =	simm.s32 $0x17200  }
0x208: {  	[tilespmem:s26], [sflag:$0x6] =	stream.indirect_vreg.gather [hbm4b:s6+s3], $0x80, v3, vm0, $0xb8;
	[tilespmem:$0x18200] =	vst v63  }
0x209: {  	s28 =	simm.s32 $0x17A00  }
0x20a: {  	[tilespmem:s28], [sflag:$0x6] =	stream.indirect_vreg.gather [hbm4b:s7+s3], $0x80, v3, vm0, $0xb8;
	[tilespmem:$0x18200] =	vst v63  }
0x20b: {  	_ =	swait.ge [sflag:s2], $0x4000  }
0x20c: {  	[sflag:s2] =	ssyncset.done $0x0  }
0x20d: {  	s24 =	simm.s32 $0x200;
	s18 =	rddreg [dreg:$0x11];
	[sflag:s2] =	ssyncadd.s32 $0xFFFFC000  }
0x20e: {  	[hbm4b:s18+s3] =	stream.linear.scatter [tilespmem:s24], [sflag:$0x7], $0x4000, $0x38;
	[tilespmem:$0x18200] =	vst v63  }
0x20f: {  	_ =	swait.ge [sflag:s9], $0x4000  }
0x210: {  	[sflag:s9] =	ssyncset.done $0x0  }
0x211: {  	[sflag:s9] =	ssyncadd.s32 $0xFFFFC000  }
0x212: {  	v3 =	vld [tilespmem:$0x120];
	_ =	sdelay $0x4  }
0x213: {  	v50 =	vshll.u32 v3, $0x3  }
0x214: {  	v3 =	vand.u32 $0x7, v3;
	v4 =	vand.u32 $0xFFFFFFC0, v50  }
0x215: {  	v3 =	vor.u32 v3, v4  }
0x216: {  	v4 =	vperm.xlane v3, v0;
	_ =	sdelay $0x1  }
0x217: {  	v4 =	vadd.s32 v1, v4;
	_ =	sdelay $0x4  }
0x218: {  	[tilespmem:s24], [sflag:$0x1] =	stream.indirect_vreg.gather [hbm4b:s1+s3], $0x80, v4, vm0, $0xb8;
	[tilespmem:$0x18200] =	vst v63  }
0x219: {  	s26 =	simm.s32 $0xA00;
	v3 =	vperm.xlane v3, v2  }
0x21a: {  	[tilespmem:s26], [sflag:$0x1] =	stream.indirect_vreg.gather [hbm4b:s5+s3], $0x80, v4, vm0, $0xb8;
	[tilespmem:$0x18200] =	vst v63  }
0x21b: {  	s25 =	simm.s32 $0x1200;
	v3 =	vadd.s32 v1, v3  }
0x21c: {  	[tilespmem:s25], [sflag:$0x1] =	stream.indirect_vreg.gather [hbm4b:s6+s3], $0x80, v4, vm0, $0xb8;
	[tilespmem:$0x18200] =	vst v63  }
0x21d: {  	s28 =	simm.s32 $0x1A00  }
0x21e: {  	[tilespmem:s28], [sflag:$0x1] =	stream.indirect_vreg.gather [hbm4b:s7+s3], $0x80, v4, vm0, $0xb8;
	[tilespmem:$0x18200] =	vst v63  }
0x21f: {  	s18 =	simm.s32 $0x2200  }
0x220: {  	[tilespmem:s18], [sflag:$0x1] =	stream.indirect_vreg.gather [hbm4b:s1+s3], $0x80, v3, vm0, $0xb8;
	[tilespmem:$0x18200] =	vst v63  }
0x221: {  	s24 =	simm.s32 $0x2A00  }
0x222: {  	[tilespmem:s24], [sflag:$0x1] =	stream.indirect_vreg.gather [hbm4b:s5+s3], $0x80, v3, vm0, $0xb8;
	[tilespmem:$0x18200] =	vst v63  }
0x223: {  	s25 =	simm.s32 $0x3200  }
0x224: {  	[tilespmem:s25], [sflag:$0x1] =	stream.indirect_vreg.gather [hbm4b:s6+s3], $0x80, v3, vm0, $0xb8;
	[tilespmem:$0x18200] =	vst v63  }
0x225: {  	s28 =	simm.s32 $0x3A00  }
0x226: {  	[tilespmem:s28], [sflag:$0x1] =	stream.indirect_vreg.gather [hbm4b:s7+s3], $0x80, v3, vm0, $0xb8;
	[tilespmem:$0x18200] =	vst v63  }
0x227: {  	_ =	swait.ge [sflag:s29], $0x4000  }
0x228: {  	[sflag:s29] =	ssyncset.done $0x0  }
0x229: {  	s18 =	simm.s32 $0x4200;
	s19 =	rddreg [dreg:$0x12];
	[sflag:s29] =	ssyncadd.s32 $0xFFFFC000  }
0x22a: {  	[hbm4b:s19+s3] =	stream.linear.scatter [tilespmem:s18], [sflag:$0x8], $0x4000, $0x38;
	[tilespmem:$0x18200] =	vst v63  }
0x22b: {  	_ =	swait.ge [sflag:s31], $0x4000  }
0x22c: {  	[sflag:s31] =	ssyncset.done $0x0  }
0x22d: {  	[sflag:s31] =	ssyncadd.s32 $0xFFFFC000  }
0x22e: {  	v3 =	vld [tilespmem:$0x130];
	_ =	sdelay $0x4  }
0x22f: {  	v51 =	vshll.u32 v3, $0x3  }
0x230: {  	v3 =	vand.u32 $0x7, v3;
	v4 =	vand.u32 $0xFFFFFFC0, v51  }
0x231: {  	v3 =	vor.u32 v3, v4  }
0x232: {  	v4 =	vperm.xlane v3, v0;
	_ =	sdelay $0x1  }
0x233: {  	v4 =	vadd.s32 v1, v4;
	_ =	sdelay $0x4  }
0x234: {  	[tilespmem:s18], [sflag:$0x2] =	stream.indirect_vreg.gather [hbm4b:s1+s3], $0x80, v4, vm0, $0xb8;
	[tilespmem:$0x18200] =	vst v63  }
0x235: {  	s19 =	simm.s32 $0x4A00;
	v3 =	vperm.xlane v3, v2  }
0x236: {  	[tilespmem:s19], [sflag:$0x2] =	stream.indirect_vreg.gather [hbm4b:s5+s3], $0x80, v4, vm0, $0xb8;
	[tilespmem:$0x18200] =	vst v63  }
0x237: {  	v3 =	vadd.s32 v1, v3;
	s19 =	simm.s32 $0x5200  }
0x238: {  	[tilespmem:s19], [sflag:$0x2] =	stream.indirect_vreg.gather [hbm4b:s6+s3], $0x80, v4, vm0, $0xb8;
	[tilespmem:$0x18200] =	vst v63  }
0x239: {  	s19 =	simm.s32 $0x5A00  }
0x23a: {  	[tilespmem:s19], [sflag:$0x2] =	stream.indirect_vreg.gather [hbm4b:s7+s3], $0x80, v4, vm0, $0xb8;
	[tilespmem:$0x18200] =	vst v63  }
0x23b: {  	s19 =	simm.s32 $0x6200  }
0x23c: {  	[tilespmem:s19], [sflag:$0x2] =	stream.indirect_vreg.gather [hbm4b:s1+s3], $0x80, v3, vm0, $0xb8;
	[tilespmem:$0x18200] =	vst v63  }
0x23d: {  	s19 =	simm.s32 $0x6A00  }
0x23e: {  	[tilespmem:s19], [sflag:$0x2] =	stream.indirect_vreg.gather [hbm4b:s5+s3], $0x80, v3, vm0, $0xb8;
	[tilespmem:$0x18200] =	vst v63  }
0x23f: {  	s19 =	simm.s32 $0x7200  }
0x240: {  	[tilespmem:s19], [sflag:$0x2] =	stream.indirect_vreg.gather [hbm4b:s6+s3], $0x80, v3, vm0, $0xb8;
	[tilespmem:$0x18200] =	vst v63  }
0x241: {  	s19 =	simm.s32 $0x7A00  }
0x242: {  	[tilespmem:s19], [sflag:$0x2] =	stream.indirect_vreg.gather [hbm4b:s7+s3], $0x80, v3, vm0, $0xb8;
	[tilespmem:$0x18200] =	vst v63  }
0x243: {  	_ =	swait.ge [sflag:s23], $0x4000  }
0x244: {  	[sflag:s23] =	ssyncset.done $0x0  }
0x245: {  	s4 =	simm.s32 $0x8200;
	s19 =	rddreg [dreg:$0x13];
	[sflag:s23] =	ssyncadd.s32 $0xFFFFC000  }
0x246: {  	[hbm4b:s19+s3] =	stream.linear.scatter [tilespmem:s4], [sflag:$0x9], $0x4000, $0x38;
	[tilespmem:$0x18200] =	vst v63  }
0x247: {  	_ =	swait.ge [sflag:s11], $0x4000  }
0x248: {  	[sflag:s11] =	ssyncset.done $0x0  }
0x249: {  	[sflag:s11] =	ssyncadd.s32 $0xFFFFC000  }
0x24a: {  	v3 =	vld [tilespmem:$0x140];
	_ =	sdelay $0x4  }
0x24b: {  	v52 =	vshll.u32 v3, $0x3  }
0x24c: {  	v3 =	vand.u32 $0x7, v3;
	v4 =	vand.u32 $0xFFFFFFC0, v52  }
0x24d: {  	v3 =	vor.u32 v3, v4  }
0x24e: {  	v4 =	vperm.xlane v3, v0;
	_ =	sdelay $0x1  }
0x24f: {  	v4 =	vadd.s32 v1, v4;
	_ =	sdelay $0x4  }
0x250: {  	[tilespmem:s4], [sflag:$0x3] =	stream.indirect_vreg.gather [hbm4b:s1+s3], $0x80, v4, vm0, $0xb8;
	[tilespmem:$0x18200] =	vst v63  }
0x251: {  	s19 =	simm.s32 $0x8A00;
	v3 =	vperm.xlane v3, v2  }
0x252: {  	[tilespmem:s19], [sflag:$0x3] =	stream.indirect_vreg.gather [hbm4b:s5+s3], $0x80, v4, vm0, $0xb8;
	[tilespmem:$0x18200] =	vst v63  }
0x253: {  	v3 =	vadd.s32 v1, v3;
	s4 =	simm.s32 $0x9200  }
0x254: {  	[tilespmem:s4], [sflag:$0x3] =	stream.indirect_vreg.gather [hbm4b:s6+s3], $0x80, v4, vm0, $0xb8;
	[tilespmem:$0x18200] =	vst v63  }
0x255: {  	s19 =	simm.s32 $0x9A00  }
0x256: {  	[tilespmem:s19], [sflag:$0x3] =	stream.indirect_vreg.gather [hbm4b:s7+s3], $0x80, v4, vm0, $0xb8;
	[tilespmem:$0x18200] =	vst v63  }
0x257: {  	s19 =	simm.s32 $0xA200  }
0x258: {  	[tilespmem:s19], [sflag:$0x3] =	stream.indirect_vreg.gather [hbm4b:s1+s3], $0x80, v3, vm0, $0xb8;
	[tilespmem:$0x18200] =	vst v63  }
0x259: {  	s19 =	simm.s32 $0xAA00  }
0x25a: {  	[tilespmem:s19], [sflag:$0x3] =	stream.indirect_vreg.gather [hbm4b:s5+s3], $0x80, v3, vm0, $0xb8;
	[tilespmem:$0x18200] =	vst v63  }
0x25b: {  	s19 =	simm.s32 $0xB200  }
0x25c: {  	[tilespmem:s19], [sflag:$0x3] =	stream.indirect_vreg.gather [hbm4b:s6+s3], $0x80, v3, vm0, $0xb8;
	[tilespmem:$0x18200] =	vst v63  }
0x25d: {  	s19 =	simm.s32 $0xBA00  }
0x25e: {  	[tilespmem:s19], [sflag:$0x3] =	stream.indirect_vreg.gather [hbm4b:s7+s3], $0x80, v3, vm0, $0xb8;
	[tilespmem:$0x18200] =	vst v63  }
0x25f: {  	_ =	swait.ge [sflag:s12], $0x4000  }
0x260: {  	[sflag:s12] =	ssyncset.done $0x0  }
0x261: {  	s0 =	simm.s32 $0xC200;
	s19 =	rddreg [dreg:$0x14];
	[sflag:s12] =	ssyncadd.s32 $0xFFFFC000  }
0x262: {  	[hbm4b:s19+s3] =	stream.linear.scatter [tilespmem:s0], [sflag:$0xA], $0x4000, $0x38;
	[tilespmem:$0x18200] =	vst v63  }
0x263: {  	_ =	swait.ge [sflag:s13], $0x4000  }
0x264: {  	[sflag:s13] =	ssyncset.done $0x0  }
0x265: {  	[sflag:s13] =	ssyncadd.s32 $0xFFFFC000  }
0x266: {  	v3 =	vld [tilespmem:$0x150];
	_ =	sdelay $0x4  }
0x267: {  	v53 =	vshll.u32 v3, $0x3  }
0x268: {  	v3 =	vand.u32 $0x7, v3;
	v4 =	vand.u32 $0xFFFFFFC0, v53  }
0x269: {  	v3 =	vor.u32 v3, v4  }
0x26a: {  	v4 =	vperm.xlane v3, v0;
	_ =	sdelay $0x1  }
0x26b: {  	v4 =	vadd.s32 v1, v4;
	_ =	sdelay $0x4  }
0x26c: {  	[tilespmem:s0], [sflag:$0x4] =	stream.indirect_vreg.gather [hbm4b:s1+s3], $0x80, v4, vm0, $0xb8;
	[tilespmem:$0x18200] =	vst v63  }
0x26d: {  	v3 =	vperm.xlane v3, v2;
	s0 =	simm.s32 $0xCA00  }
0x26e: {  	[tilespmem:s0], [sflag:$0x4] =	stream.indirect_vreg.gather [hbm4b:s5+s3], $0x80, v4, vm0, $0xb8;
	[tilespmem:$0x18200] =	vst v63  }
0x26f: {  	v3 =	vadd.s32 v1, v3;
	s0 =	simm.s32 $0xD200  }
0x270: {  	[tilespmem:s0], [sflag:$0x4] =	stream.indirect_vreg.gather [hbm4b:s6+s3], $0x80, v4, vm0, $0xb8;
	[tilespmem:$0x18200] =	vst v63  }
0x271: {  	s0 =	simm.s32 $0xDA00  }
0x272: {  	[tilespmem:s0], [sflag:$0x4] =	stream.indirect_vreg.gather [hbm4b:s7+s3], $0x80, v4, vm0, $0xb8;
	[tilespmem:$0x18200] =	vst v63  }
0x273: {  	s0 =	simm.s32 $0xE200  }
0x274: {  	[tilespmem:s0], [sflag:$0x4] =	stream.indirect_vreg.gather [hbm4b:s1+s3], $0x80, v3, vm0, $0xb8;
	[tilespmem:$0x18200] =	vst v63  }
0x275: {  	s0 =	simm.s32 $0xEA00  }
0x276: {  	[tilespmem:s0], [sflag:$0x4] =	stream.indirect_vreg.gather [hbm4b:s5+s3], $0x80, v3, vm0, $0xb8;
	[tilespmem:$0x18200] =	vst v63  }
0x277: {  	_ = 	snop  }
0x278: {  	[tilespmem:s22], [sflag:$0x4] =	stream.indirect_vreg.gather [hbm4b:s6+s3], $0x80, v3, vm0, $0xb8;
	[tilespmem:$0x18200] =	vst v63  }
0x279: {  	s22 =	simm.s32 $0xFA00  }
0x27a: {  	[tilespmem:s22], [sflag:$0x4] =	stream.indirect_vreg.gather [hbm4b:s7+s3], $0x80, v3, vm0, $0xb8;
	[tilespmem:$0x18200] =	vst v63  }
0x27b: {  	_ =	swait.ge [sflag:s14], $0x4000  }
0x27c: {  	[sflag:s14] =	ssyncset.done $0x0  }
0x27d: {  	s8 =	simm.s32 $0x10200;
	s0 =	rddreg [dreg:$0x15];
	[sflag:s14] =	ssyncadd.s32 $0xFFFFC000  }
0x27e: {  	[hbm4b:s0+s3] =	stream.linear.scatter [tilespmem:s8], [sflag:$0xB], $0x4000, $0x38;
	[tilespmem:$0x18200] =	vst v63  }
0x27f: {  	_ =	swait.ge [sflag:s15], $0x4000  }
0x280: {  	[sflag:s15] =	ssyncset.done $0x0  }
0x281: {  	[sflag:s15] =	ssyncadd.s32 $0xFFFFC000  }
0x282: {  	v3 =	vld [tilespmem:$0x160];
	_ =	sdelay $0x4  }
0x283: {  	v54 =	vshll.u32 v3, $0x3  }
0x284: {  	v3 =	vand.u32 $0x7, v3;
	v4 =	vand.u32 $0xFFFFFFC0, v54  }
0x285: {  	v3 =	vor.u32 v3, v4  }
0x286: {  	v4 =	vperm.xlane v3, v0;
	_ =	sdelay $0x1  }
0x287: {  	v4 =	vadd.s32 v1, v4;
	_ =	sdelay $0x4  }
0x288: {  	[tilespmem:s8], [sflag:$0x5] =	stream.indirect_vreg.gather [hbm4b:s1+s3], $0x80, v4, vm0, $0xb8;
	[tilespmem:$0x18200] =	vst v63  }
0x289: {  	s22 =	simm.s32 $0x10A00;
	v3 =	vperm.xlane v3, v2  }
0x28a: {  	[tilespmem:s22], [sflag:$0x5] =	stream.indirect_vreg.gather [hbm4b:s5+s3], $0x80, v4, vm0, $0xb8;
	[tilespmem:$0x18200] =	vst v63  }
0x28b: {  	s0 =	simm.s32 $0x11200;
	v3 =	vadd.s32 v1, v3  }
0x28c: {  	[tilespmem:s0], [sflag:$0x5] =	stream.indirect_vreg.gather [hbm4b:s6+s3], $0x80, v4, vm0, $0xb8;
	[tilespmem:$0x18200] =	vst v63  }
0x28d: {  	s19 =	simm.s32 $0x11A00  }
0x28e: {  	[tilespmem:s19], [sflag:$0x5] =	stream.indirect_vreg.gather [hbm4b:s7+s3], $0x80, v4, vm0, $0xb8;
	[tilespmem:$0x18200] =	vst v63  }
0x28f: {  	s22 =	simm.s32 $0x12200  }
0x290: {  	[tilespmem:s22], [sflag:$0x5] =	stream.indirect_vreg.gather [hbm4b:s1+s3], $0x80, v3, vm0, $0xb8;
	[tilespmem:$0x18200] =	vst v63  }
0x291: {  	s0 =	simm.s32 $0x12A00  }
0x292: {  	[tilespmem:s0], [sflag:$0x5] =	stream.indirect_vreg.gather [hbm4b:s5+s3], $0x80, v3, vm0, $0xb8;
	[tilespmem:$0x18200] =	vst v63  }
0x293: {  	s19 =	simm.s32 $0x13200  }
0x294: {  	[tilespmem:s19], [sflag:$0x5] =	stream.indirect_vreg.gather [hbm4b:s6+s3], $0x80, v3, vm0, $0xb8;
	[tilespmem:$0x18200] =	vst v63  }
0x295: {  	_ = 	snop  }
0x296: {  	[tilespmem:s21], [sflag:$0x5] =	stream.indirect_vreg.gather [hbm4b:s7+s3], $0x80, v3, vm0, $0xb8;
	[tilespmem:$0x18200] =	vst v63  }
0x297: {  	_ =	swait.ge [sflag:s16], $0x4000  }
0x298: {  	[sflag:s16] =	ssyncset.done $0x0  }
0x299: {  	s20 =	simm.s32 $0x14200;
	s22 =	rddreg [dreg:$0x16];
	[sflag:s16] =	ssyncadd.s32 $0xFFFFC000  }
0x29a: {  	[hbm4b:s22+s3] =	stream.linear.scatter [tilespmem:s20], [sflag:$0xC], $0x4000, $0x38;
	[tilespmem:$0x18200] =	vst v63  }
0x29b: {  	_ =	swait.ge [sflag:s17], $0x4000  }
0x29c: {  	[sflag:s17] =	ssyncset.done $0x0  }
0x29d: {  	[sflag:s17] =	ssyncadd.s32 $0xFFFFC000  }
0x29e: {  	v3 =	vld [tilespmem:$0x170];
	_ =	sdelay $0x4  }
0x29f: {  	v55 =	vshll.u32 v3, $0x3  }
0x2a0: {  	v3 =	vand.u32 $0x7, v3;
	v4 =	vand.u32 $0xFFFFFFC0, v55  }
0x2a1: {  	v3 =	vor.u32 v3, v4  }
0x2a2: {  	v4 =	vperm.xlane v3, v0;
	_ =	sdelay $0x1  }
0x2a3: {  	v4 =	vadd.s32 v1, v4;
	_ =	sdelay $0x4  }
0x2a4: {  	[tilespmem:s20], [sflag:$0x6] =	stream.indirect_vreg.gather [hbm4b:s1+s3], $0x80, v4, vm0, $0xb8;
	[tilespmem:$0x18200] =	vst v63  }
0x2a5: {  	s0 =	simm.s32 $0x14A00;
	v3 =	vperm.xlane v3, v2  }
0x2a6: {  	[tilespmem:s0], [sflag:$0x6] =	stream.indirect_vreg.gather [hbm4b:s5+s3], $0x80, v4, vm0, $0xb8;
	[tilespmem:$0x18200] =	vst v63  }
0x2a7: {  	v3 =	vadd.s32 v1, v3  }
0x2a8: {  	[tilespmem:s30], [sflag:$0x6] =	stream.indirect_vreg.gather [hbm4b:s6+s3], $0x80, v4, vm0, $0xb8;
	[tilespmem:$0x18200] =	vst v63  }
0x2a9: {  	s19 =	simm.s32 $0x15A00  }
0x2aa: {  	[tilespmem:s19], [sflag:$0x6] =	stream.indirect_vreg.gather [hbm4b:s7+s3], $0x80, v4, vm0, $0xb8;
	[tilespmem:$0x18200] =	vst v63  }
0x2ab: {  	s20 =	simm.s32 $0x16200  }
0x2ac: {  	[tilespmem:s20], [sflag:$0x6] =	stream.indirect_vreg.gather [hbm4b:s1+s3], $0x80, v3, vm0, $0xb8;
	[tilespmem:$0x18200] =	vst v63  }
0x2ad: {  	s21 =	simm.s32 $0x16A00  }
0x2ae: {  	[tilespmem:s21], [sflag:$0x6] =	stream.indirect_vreg.gather [hbm4b:s5+s3], $0x80, v3, vm0, $0xb8;
	[tilespmem:$0x18200] =	vst v63  }
0x2af: {  	s22 =	simm.s32 $0x17200  }
0x2b0: {  	[tilespmem:s22], [sflag:$0x6] =	stream.indirect_vreg.gather [hbm4b:s6+s3], $0x80, v3, vm0, $0xb8;
	[tilespmem:$0x18200] =	vst v63  }
0x2b1: {  	s0 =	simm.s32 $0x17A00  }
0x2b2: {  	[tilespmem:s0], [sflag:$0x6] =	stream.indirect_vreg.gather [hbm4b:s7+s3], $0x80, v3, vm0, $0xb8;
	[tilespmem:$0x18200] =	vst v63  }
0x2b3: {  	_ =	swait.ge [sflag:s2], $0x4000  }
0x2b4: {  	[sflag:s2] =	ssyncset.done $0x0  }
0x2b5: {  	s10 =	simm.s32 $0x200;
	s8 =	rddreg [dreg:$0x17];
	[sflag:s2] =	ssyncadd.s32 $0xFFFFC000  }
0x2b6: {  	[hbm4b:s8+s3] =	stream.linear.scatter [tilespmem:s10], [sflag:$0x7], $0x4000, $0x38;
	[tilespmem:$0x18200] =	vst v63  }
0x2b7: {  	_ =	swait.ge [sflag:s9], $0x4000  }
0x2b8: {  	[sflag:s9] =	ssyncset.done $0x0  }
0x2b9: {  	[sflag:s9] =	ssyncadd.s32 $0xFFFFC000  }
0x2ba: {  	v3 =	vld [tilespmem:$0x180];
	_ =	sdelay $0x4  }
0x2bb: {  	v56 =	vshll.u32 v3, $0x3  }
0x2bc: {  	v3 =	vand.u32 $0x7, v3;
	v4 =	vand.u32 $0xFFFFFFC0, v56  }
0x2bd: {  	v3 =	vor.u32 v3, v4  }
0x2be: {  	v4 =	vperm.xlane v3, v0;
	_ =	sdelay $0x1  }
0x2bf: {  	v4 =	vadd.s32 v1, v4;
	_ =	sdelay $0x4  }
0x2c0: {  	[tilespmem:s10], [sflag:$0x1] =	stream.indirect_vreg.gather [hbm4b:s1+s3], $0x80, v4, vm0, $0xb8;
	[tilespmem:$0x18200] =	vst v63  }
0x2c1: {  	v3 =	vperm.xlane v3, v2  }
0x2c2: {  	[tilespmem:s26], [sflag:$0x1] =	stream.indirect_vreg.gather [hbm4b:s5+s3], $0x80, v4, vm0, $0xb8;
	[tilespmem:$0x18200] =	vst v63  }
0x2c3: {  	s19 =	simm.s32 $0x1200;
	v3 =	vadd.s32 v1, v3  }
0x2c4: {  	[tilespmem:s19], [sflag:$0x1] =	stream.indirect_vreg.gather [hbm4b:s6+s3], $0x80, v4, vm0, $0xb8;
	[tilespmem:$0x18200] =	vst v63  }
0x2c5: {  	s20 =	simm.s32 $0x1A00  }
0x2c6: {  	[tilespmem:s20], [sflag:$0x1] =	stream.indirect_vreg.gather [hbm4b:s7+s3], $0x80, v4, vm0, $0xb8;
	[tilespmem:$0x18200] =	vst v63  }
0x2c7: {  	s21 =	simm.s32 $0x2200  }
0x2c8: {  	[tilespmem:s21], [sflag:$0x1] =	stream.indirect_vreg.gather [hbm4b:s1+s3], $0x80, v3, vm0, $0xb8;
	[tilespmem:$0x18200] =	vst v63  }
0x2c9: {  	_ = 	snop  }
0x2ca: {  	[tilespmem:s24], [sflag:$0x1] =	stream.indirect_vreg.gather [hbm4b:s5+s3], $0x80, v3, vm0, $0xb8;
	[tilespmem:$0x18200] =	vst v63  }
0x2cb: {  	_ = 	snop  }
0x2cc: {  	[tilespmem:s25], [sflag:$0x1] =	stream.indirect_vreg.gather [hbm4b:s6+s3], $0x80, v3, vm0, $0xb8;
	[tilespmem:$0x18200] =	vst v63  }
0x2cd: {  	_ = 	snop  }
0x2ce: {  	[tilespmem:s28], [sflag:$0x1] =	stream.indirect_vreg.gather [hbm4b:s7+s3], $0x80, v3, vm0, $0xb8;
	[tilespmem:$0x18200] =	vst v63  }
0x2cf: {  	_ =	swait.ge [sflag:s29], $0x4000  }
0x2d0: {  	[sflag:s29] =	ssyncset.done $0x0  }
0x2d1: {  	s18 =	simm.s32 $0x4200;
	s0 =	rddreg [dreg:$0x18];
	[sflag:s29] =	ssyncadd.s32 $0xFFFFC000  }
0x2d2: {  	[hbm4b:s0+s3] =	stream.linear.scatter [tilespmem:s18], [sflag:$0x8], $0x4000, $0x38;
	[tilespmem:$0x18200] =	vst v63  }
0x2d3: {  	_ =	swait.ge [sflag:s31], $0x4000  }
0x2d4: {  	[sflag:s31] =	ssyncset.done $0x0  }
0x2d5: {  	[sflag:s31] =	ssyncadd.s32 $0xFFFFC000  }
0x2d6: {  	v3 =	vld [tilespmem:$0x190];
	_ =	sdelay $0x4  }
0x2d7: {  	v57 =	vshll.u32 v3, $0x3  }
0x2d8: {  	v3 =	vand.u32 $0x7, v3;
	v4 =	vand.u32 $0xFFFFFFC0, v57  }
0x2d9: {  	v3 =	vor.u32 v3, v4  }
0x2da: {  	v4 =	vperm.xlane v3, v0;
	_ =	sdelay $0x1  }
0x2db: {  	v4 =	vadd.s32 v1, v4;
	_ =	sdelay $0x4  }
0x2dc: {  	[tilespmem:s18], [sflag:$0x2] =	stream.indirect_vreg.gather [hbm4b:s1+s3], $0x80, v4, vm0, $0xb8;
	[tilespmem:$0x18200] =	vst v63  }
0x2dd: {  	s8 =	simm.s32 $0x4A00;
	v3 =	vperm.xlane v3, v2  }
0x2de: {  	[tilespmem:s8], [sflag:$0x2] =	stream.indirect_vreg.gather [hbm4b:s5+s3], $0x80, v4, vm0, $0xb8;
	[tilespmem:$0x18200] =	vst v63  }
0x2df: {  	s10 =	simm.s32 $0x5200;
	v3 =	vadd.s32 v1, v3  }
0x2e0: {  	[tilespmem:s10], [sflag:$0x2] =	stream.indirect_vreg.gather [hbm4b:s6+s3], $0x80, v4, vm0, $0xb8;
	[tilespmem:$0x18200] =	vst v63  }
0x2e1: {  	s18 =	simm.s32 $0x5A00  }
0x2e2: {  	[tilespmem:s18], [sflag:$0x2] =	stream.indirect_vreg.gather [hbm4b:s7+s3], $0x80, v4, vm0, $0xb8;
	[tilespmem:$0x18200] =	vst v63  }
0x2e3: {  	s0 =	simm.s32 $0x6200  }
0x2e4: {  	[tilespmem:s0], [sflag:$0x2] =	stream.indirect_vreg.gather [hbm4b:s1+s3], $0x80, v3, vm0, $0xb8;
	[tilespmem:$0x18200] =	vst v63  }
0x2e5: {  	s19 =	simm.s32 $0x6A00  }
0x2e6: {  	[tilespmem:s19], [sflag:$0x2] =	stream.indirect_vreg.gather [hbm4b:s5+s3], $0x80, v3, vm0, $0xb8;
	[tilespmem:$0x18200] =	vst v63  }
0x2e7: {  	s20 =	simm.s32 $0x7200  }
0x2e8: {  	[tilespmem:s20], [sflag:$0x2] =	stream.indirect_vreg.gather [hbm4b:s6+s3], $0x80, v3, vm0, $0xb8;
	[tilespmem:$0x18200] =	vst v63  }
0x2e9: {  	s21 =	simm.s32 $0x7A00  }
0x2ea: {  	[tilespmem:s21], [sflag:$0x2] =	stream.indirect_vreg.gather [hbm4b:s7+s3], $0x80, v3, vm0, $0xb8;
	[tilespmem:$0x18200] =	vst v63  }
0x2eb: {  	_ =	swait.ge [sflag:s23], $0x4000  }
0x2ec: {  	[sflag:s23] =	ssyncset.done $0x0  }
0x2ed: {  	s18 =	simm.s32 $0x8200;
	s10 =	rddreg [dreg:$0x19];
	[sflag:s23] =	ssyncadd.s32 $0xFFFFC000  }
0x2ee: {  	[hbm4b:s10+s3] =	stream.linear.scatter [tilespmem:s18], [sflag:$0x9], $0x4000, $0x38;
	[tilespmem:$0x18200] =	vst v63  }
0x2ef: {  	_ =	swait.ge [sflag:s11], $0x4000  }
0x2f0: {  	[sflag:s11] =	ssyncset.done $0x0  }
0x2f1: {  	[sflag:s11] =	ssyncadd.s32 $0xFFFFC000  }
0x2f2: {  	v3 =	vld [tilespmem:$0x1A0];
	_ =	sdelay $0x4  }
0x2f3: {  	v58 =	vshll.u32 v3, $0x3  }
0x2f4: {  	v3 =	vand.u32 $0x7, v3;
	v4 =	vand.u32 $0xFFFFFFC0, v58  }
0x2f5: {  	v3 =	vor.u32 v3, v4  }
0x2f6: {  	v4 =	vperm.xlane v3, v0;
	_ =	sdelay $0x1  }
0x2f7: {  	v4 =	vadd.s32 v1, v4;
	_ =	sdelay $0x4  }
0x2f8: {  	[tilespmem:s18], [sflag:$0x3] =	stream.indirect_vreg.gather [hbm4b:s1+s3], $0x80, v4, vm0, $0xb8;
	[tilespmem:$0x18200] =	vst v63  }
0x2f9: {  	s20 =	simm.s32 $0x8A00;
	v3 =	vperm.xlane v3, v2  }
0x2fa: {  	[tilespmem:s20], [sflag:$0x3] =	stream.indirect_vreg.gather [hbm4b:s5+s3], $0x80, v4, vm0, $0xb8;
	[tilespmem:$0x18200] =	vst v63  }
0x2fb: {  	s21 =	simm.s32 $0x9200;
	v3 =	vadd.s32 v1, v3  }
0x2fc: {  	[tilespmem:s21], [sflag:$0x3] =	stream.indirect_vreg.gather [hbm4b:s6+s3], $0x80, v4, vm0, $0xb8;
	[tilespmem:$0x18200] =	vst v63  }
0x2fd: {  	s4 =	simm.s32 $0x9A00  }
0x2fe: {  	[tilespmem:s4], [sflag:$0x3] =	stream.indirect_vreg.gather [hbm4b:s7+s3], $0x80, v4, vm0, $0xb8;
	[tilespmem:$0x18200] =	vst v63  }
0x2ff: {  	s18 =	simm.s32 $0xA200  }
0x300: {  	[tilespmem:s18], [sflag:$0x3] =	stream.indirect_vreg.gather [hbm4b:s1+s3], $0x80, v3, vm0, $0xb8;
	[tilespmem:$0x18200] =	vst v63  }
0x301: {  	s19 =	simm.s32 $0xAA00  }
0x302: {  	[tilespmem:s19], [sflag:$0x3] =	stream.indirect_vreg.gather [hbm4b:s5+s3], $0x80, v3, vm0, $0xb8;
	[tilespmem:$0x18200] =	vst v63  }
0x303: {  	s20 =	simm.s32 $0xB200  }
0x304: {  	[tilespmem:s20], [sflag:$0x3] =	stream.indirect_vreg.gather [hbm4b:s6+s3], $0x80, v3, vm0, $0xb8;
	[tilespmem:$0x18200] =	vst v63  }
0x305: {  	s21 =	simm.s32 $0xBA00  }
0x306: {  	[tilespmem:s21], [sflag:$0x3] =	stream.indirect_vreg.gather [hbm4b:s7+s3], $0x80, v3, vm0, $0xb8;
	[tilespmem:$0x18200] =	vst v63  }
0x307: {  	_ =	swait.ge [sflag:s12], $0x4000  }
0x308: {  	[sflag:s12] =	ssyncset.done $0x0  }
0x309: {  	s10 =	simm.s32 $0xC200;
	s4 =	rddreg [dreg:$0x1a];
	[sflag:s12] =	ssyncadd.s32 $0xFFFFC000  }
0x30a: {  	[hbm4b:s4+s3] =	stream.linear.scatter [tilespmem:s10], [sflag:$0xA], $0x4000, $0x38;
	[tilespmem:$0x18200] =	vst v63  }
0x30b: {  	_ =	swait.ge [sflag:s13], $0x4000  }
0x30c: {  	[sflag:s13] =	ssyncset.done $0x0  }
0x30d: {  	[sflag:s13] =	ssyncadd.s32 $0xFFFFC000  }
0x30e: {  	v3 =	vld [tilespmem:$0x1B0];
	_ =	sdelay $0x4  }
0x30f: {  	v59 =	vshll.u32 v3, $0x3  }
0x310: {  	v3 =	vand.u32 $0x7, v3;
	v4 =	vand.u32 $0xFFFFFFC0, v59  }
0x311: {  	v3 =	vor.u32 v3, v4  }
0x312: {  	v4 =	vperm.xlane v3, v0;
	_ =	sdelay $0x1  }
0x313: {  	v4 =	vadd.s32 v1, v4;
	_ =	sdelay $0x4  }
0x314: {  	[tilespmem:s10], [sflag:$0x4] =	stream.indirect_vreg.gather [hbm4b:s1+s3], $0x80, v4, vm0, $0xb8;
	[tilespmem:$0x18200] =	vst v63  }
0x315: {  	s18 =	simm.s32 $0xCA00;
	v3 =	vperm.xlane v3, v2  }
0x316: {  	[tilespmem:s18], [sflag:$0x4] =	stream.indirect_vreg.gather [hbm4b:s5+s3], $0x80, v4, vm0, $0xb8;
	[tilespmem:$0x18200] =	vst v63  }
0x317: {  	s19 =	simm.s32 $0xD200;
	v3 =	vadd.s32 v1, v3  }
0x318: {  	[tilespmem:s19], [sflag:$0x4] =	stream.indirect_vreg.gather [hbm4b:s6+s3], $0x80, v4, vm0, $0xb8;
	[tilespmem:$0x18200] =	vst v63  }
0x319: {  	s21 =	simm.s32 $0xDA00  }
0x31a: {  	[tilespmem:s21], [sflag:$0x4] =	stream.indirect_vreg.gather [hbm4b:s7+s3], $0x80, v4, vm0, $0xb8;
	[tilespmem:$0x18200] =	vst v63  }
0x31b: {  	s10 =	simm.s32 $0xE200  }
0x31c: {  	[tilespmem:s10], [sflag:$0x4] =	stream.indirect_vreg.gather [hbm4b:s1+s3], $0x80, v3, vm0, $0xb8;
	[tilespmem:$0x18200] =	vst v63  }
0x31d: {  	s18 =	simm.s32 $0xEA00  }
0x31e: {  	[tilespmem:s18], [sflag:$0x4] =	stream.indirect_vreg.gather [hbm4b:s5+s3], $0x80, v3, vm0, $0xb8;
	[tilespmem:$0x18200] =	vst v63  }
0x31f: {  	s19 =	simm.s32 $0xF200  }
0x320: {  	[tilespmem:s19], [sflag:$0x4] =	stream.indirect_vreg.gather [hbm4b:s6+s3], $0x80, v3, vm0, $0xb8;
	[tilespmem:$0x18200] =	vst v63  }
0x321: {  	s21 =	simm.s32 $0xFA00  }
0x322: {  	[tilespmem:s21], [sflag:$0x4] =	stream.indirect_vreg.gather [hbm4b:s7+s3], $0x80, v3, vm0, $0xb8;
	[tilespmem:$0x18200] =	vst v63  }
0x323: {  	_ =	swait.ge [sflag:s14], $0x4000  }
0x324: {  	[sflag:s14] =	ssyncset.done $0x0  }
0x325: {  	s18 =	simm.s32 $0x10200;
	s10 =	rddreg [dreg:$0x1b];
	[sflag:s14] =	ssyncadd.s32 $0xFFFFC000  }
0x326: {  	[hbm4b:s10+s3] =	stream.linear.scatter [tilespmem:s18], [sflag:$0xB], $0x4000, $0x38;
	[tilespmem:$0x18200] =	vst v63  }
0x327: {  	_ =	swait.ge [sflag:s15], $0x4000  }
0x328: {  	[sflag:s15] =	ssyncset.done $0x0  }
0x329: {  	[sflag:s15] =	ssyncadd.s32 $0xFFFFC000  }
0x32a: {  	v3 =	vld [tilespmem:$0x1C0];
	_ =	sdelay $0x4  }
0x32b: {  	v60 =	vshll.u32 v3, $0x3  }
0x32c: {  	v3 =	vand.u32 $0x7, v3;
	v4 =	vand.u32 $0xFFFFFFC0, v60  }
0x32d: {  	v3 =	vor.u32 v3, v4  }
0x32e: {  	v4 =	vperm.xlane v3, v0;
	_ =	sdelay $0x1  }
0x32f: {  	v4 =	vadd.s32 v1, v4;
	_ =	sdelay $0x4  }
0x330: {  	[tilespmem:s18], [sflag:$0x5] =	stream.indirect_vreg.gather [hbm4b:s1+s3], $0x80, v4, vm0, $0xb8;
	[tilespmem:$0x18200] =	vst v63  }
0x331: {  	s19 =	simm.s32 $0x10A00;
	v3 =	vperm.xlane v3, v2  }
0x332: {  	[tilespmem:s19], [sflag:$0x5] =	stream.indirect_vreg.gather [hbm4b:s5+s3], $0x80, v4, vm0, $0xb8;
	[tilespmem:$0x18200] =	vst v63  }
0x333: {  	s10 =	simm.s32 $0x11200;
	v3 =	vadd.s32 v1, v3  }
0x334: {  	[tilespmem:s10], [sflag:$0x5] =	stream.indirect_vreg.gather [hbm4b:s6+s3], $0x80, v4, vm0, $0xb8;
	[tilespmem:$0x18200] =	vst v63  }
0x335: {  	s18 =	simm.s32 $0x11A00  }
0x336: {  	[tilespmem:s18], [sflag:$0x5] =	stream.indirect_vreg.gather [hbm4b:s7+s3], $0x80, v4, vm0, $0xb8;
	[tilespmem:$0x18200] =	vst v63  }
0x337: {  	s19 =	simm.s32 $0x12200  }
0x338: {  	[tilespmem:s19], [sflag:$0x5] =	stream.indirect_vreg.gather [hbm4b:s1+s3], $0x80, v3, vm0, $0xb8;
	[tilespmem:$0x18200] =	vst v63  }
0x339: {  	s10 =	simm.s32 $0x12A00  }
0x33a: {  	[tilespmem:s10], [sflag:$0x5] =	stream.indirect_vreg.gather [hbm4b:s5+s3], $0x80, v3, vm0, $0xb8;
	[tilespmem:$0x18200] =	vst v63  }
0x33b: {  	s18 =	simm.s32 $0x13200  }
0x33c: {  	[tilespmem:s18], [sflag:$0x5] =	stream.indirect_vreg.gather [hbm4b:s6+s3], $0x80, v3, vm0, $0xb8;
	[tilespmem:$0x18200] =	vst v63  }
0x33d: {  	s19 =	simm.s32 $0x13A00  }
0x33e: {  	[tilespmem:s19], [sflag:$0x5] =	stream.indirect_vreg.gather [hbm4b:s7+s3], $0x80, v3, vm0, $0xb8;
	[tilespmem:$0x18200] =	vst v63  }
0x33f: {  	_ =	swait.ge [sflag:s16], $0x4000  }
0x340: {  	[sflag:s16] =	ssyncset.done $0x0  }
0x341: {  	s10 =	simm.s32 $0x14200;
	s4 =	rddreg [dreg:$0x1c];
	[sflag:s16] =	ssyncadd.s32 $0xFFFFC000  }
0x342: {  	[hbm4b:s4+s3] =	stream.linear.scatter [tilespmem:s10], [sflag:$0xC], $0x4000, $0x38;
	[tilespmem:$0x18200] =	vst v63  }
0x343: {  	_ =	swait.ge [sflag:s17], $0x4000  }
0x344: {  	[sflag:s17] =	ssyncset.done $0x0  }
0x345: {  	[sflag:s17] =	ssyncadd.s32 $0xFFFFC000  }
0x346: {  	v3 =	vld [tilespmem:$0x1D0];
	_ =	sdelay $0x4  }
0x347: {  	v61 =	vshll.u32 v3, $0x3  }
0x348: {  	v3 =	vand.u32 $0x7, v3;
	v4 =	vand.u32 $0xFFFFFFC0, v61  }
0x349: {  	v3 =	vor.u32 v3, v4  }
0x34a: {  	v4 =	vperm.xlane v3, v0;
	_ =	sdelay $0x1  }
0x34b: {  	v4 =	vadd.s32 v1, v4;
	_ =	sdelay $0x4  }
0x34c: {  	[tilespmem:s10], [sflag:$0x6] =	stream.indirect_vreg.gather [hbm4b:s1+s3], $0x80, v4, vm0, $0xb8;
	[tilespmem:$0x18200] =	vst v63  }
0x34d: {  	s18 =	simm.s32 $0x14A00;
	v3 =	vperm.xlane v3, v2  }
0x34e: {  	[tilespmem:s18], [sflag:$0x6] =	stream.indirect_vreg.gather [hbm4b:s5+s3], $0x80, v4, vm0, $0xb8;
	[tilespmem:$0x18200] =	vst v63  }
0x34f: {  	s30 =	simm.s32 $0x15200;
	v3 =	vadd.s32 v1, v3  }
0x350: {  	[tilespmem:s30], [sflag:$0x6] =	stream.indirect_vreg.gather [hbm4b:s6+s3], $0x80, v4, vm0, $0xb8;
	[tilespmem:$0x18200] =	vst v63  }
0x351: {  	s19 =	simm.s32 $0x15A00  }
0x352: {  	[tilespmem:s19], [sflag:$0x6] =	stream.indirect_vreg.gather [hbm4b:s7+s3], $0x80, v4, vm0, $0xb8;
	[tilespmem:$0x18200] =	vst v63  }
0x353: {  	s30 =	simm.s32 $0x16200  }
0x354: {  	[tilespmem:s30], [sflag:$0x6] =	stream.indirect_vreg.gather [hbm4b:s1+s3], $0x80, v3, vm0, $0xb8;
	[tilespmem:$0x18200] =	vst v63  }
0x355: {  	s18 =	simm.s32 $0x16A00  }
0x356: {  	[tilespmem:s18], [sflag:$0x6] =	stream.indirect_vreg.gather [hbm4b:s5+s3], $0x80, v3, vm0, $0xb8;
	[tilespmem:$0x18200] =	vst v63  }
0x357: {  	s19 =	simm.s32 $0x17200  }
0x358: {  	[tilespmem:s19], [sflag:$0x6] =	stream.indirect_vreg.gather [hbm4b:s6+s3], $0x80, v3, vm0, $0xb8;
	[tilespmem:$0x18200] =	vst v63  }
0x359: {  	s30 =	simm.s32 $0x17A00  }
0x35a: {  	[tilespmem:s30], [sflag:$0x6] =	stream.indirect_vreg.gather [hbm4b:s7+s3], $0x80, v3, vm0, $0xb8;
	[tilespmem:$0x18200] =	vst v63  }
0x35b: {  	_ =	swait.ge [sflag:s2], $0x4000  }
0x35c: {  	[sflag:s2] =	ssyncset.done $0x0  }
0x35d: {  	s18 =	simm.s32 $0x200;
	s10 =	rddreg [dreg:$0x1d];
	[sflag:s2] =	ssyncadd.s32 $0xFFFFC000  }
0x35e: {  	[hbm4b:s10+s3] =	stream.linear.scatter [tilespmem:s18], [sflag:$0x7], $0x4000, $0x38;
	[tilespmem:$0x18200] =	vst v63  }
0x35f: {  	_ =	swait.ge [sflag:s9], $0x4000  }
0x360: {  	[sflag:s9] =	ssyncset.done $0x0  }
0x361: {  	[sflag:s9] =	ssyncadd.s32 $0xFFFFC000  }
0x362: {  	v3 =	vld [tilespmem:$0x1E0];
	_ =	sdelay $0x4  }
0x363: {  	v62 =	vshll.u32 v3, $0x3  }
0x364: {  	v3 =	vand.u32 $0x7, v3;
	v4 =	vand.u32 $0xFFFFFFC0, v62  }
0x365: {  	v3 =	vor.u32 v3, v4  }
0x366: {  	v4 =	vperm.xlane v3, v0;
	_ =	sdelay $0x1  }
0x367: {  	v4 =	vadd.s32 v1, v4;
	_ =	sdelay $0x4  }
0x368: {  	[tilespmem:s18], [sflag:$0x1] =	stream.indirect_vreg.gather [hbm4b:s1+s3], $0x80, v4, vm0, $0xb8;
	[tilespmem:$0x18200] =	vst v63  }
0x369: {  	s26 =	simm.s32 $0xA00;
	v3 =	vperm.xlane v3, v2  }
0x36a: {  	[tilespmem:s26], [sflag:$0x1] =	stream.indirect_vreg.gather [hbm4b:s5+s3], $0x80, v4, vm0, $0xb8;
	[tilespmem:$0x18200] =	vst v63  }
0x36b: {  	s19 =	simm.s32 $0x1200;
	v3 =	vadd.s32 v1, v3  }
0x36c: {  	[tilespmem:s19], [sflag:$0x1] =	stream.indirect_vreg.gather [hbm4b:s6+s3], $0x80, v4, vm0, $0xb8;
	[tilespmem:$0x18200] =	vst v63  }
0x36d: {  	s22 =	simm.s32 $0x1A00  }
0x36e: {  	[tilespmem:s22], [sflag:$0x1] =	stream.indirect_vreg.gather [hbm4b:s7+s3], $0x80, v4, vm0, $0xb8;
	[tilespmem:$0x18200] =	vst v63  }
0x36f: {  	s26 =	simm.s32 $0x2200  }
0x370: {  	[tilespmem:s26], [sflag:$0x1] =	stream.indirect_vreg.gather [hbm4b:s1+s3], $0x80, v3, vm0, $0xb8;
	[tilespmem:$0x18200] =	vst v63  }
0x371: {  	s24 =	simm.s32 $0x2A00  }
0x372: {  	[tilespmem:s24], [sflag:$0x1] =	stream.indirect_vreg.gather [hbm4b:s5+s3], $0x80, v3, vm0, $0xb8;
	[tilespmem:$0x18200] =	vst v63  }
0x373: {  	s25 =	simm.s32 $0x3200  }
0x374: {  	[tilespmem:s25], [sflag:$0x1] =	stream.indirect_vreg.gather [hbm4b:s6+s3], $0x80, v3, vm0, $0xb8;
	[tilespmem:$0x18200] =	vst v63  }
0x375: {  	s28 =	simm.s32 $0x3A00  }
0x376: {  	[tilespmem:s28], [sflag:$0x1] =	stream.indirect_vreg.gather [hbm4b:s7+s3], $0x80, v3, vm0, $0xb8;
	[tilespmem:$0x18200] =	vst v63  }
0x377: {  	_ =	swait.ge [sflag:s29], $0x4000  }
0x378: {  	[sflag:s29] =	ssyncset.done $0x0  }
0x379: {  	s30 =	simm.s32 $0x4200;
	s28 =	rddreg [dreg:$0x1e];
	[sflag:s29] =	ssyncadd.s32 $0xFFFFC000  }
0x37a: {  	[hbm4b:s28+s3] =	stream.linear.scatter [tilespmem:s30], [sflag:$0x8], $0x4000, $0x38;
	[tilespmem:$0x18200] =	vst v63  }
0x37b: {  	_ =	swait.ge [sflag:s31], $0x4000  }
0x37c: {  	[sflag:s31] =	ssyncset.done $0x0  }
0x37d: {  	[sflag:s31] =	ssyncadd.s32 $0xFFFFC000  }
0x37e: {  	v3 =	vld [tilespmem:$0x1F0];
	_ =	sdelay $0x4  }
0x37f: {  	v63 =	vshll.u32 v3, $0x3  }
0x380: {  	v3 =	vand.u32 $0x7, v3;
	v4 =	vand.u32 $0xFFFFFFC0, v63  }
0x381: {  	v3 =	vor.u32 v3, v4  }
0x382: {  	v4 =	vperm.xlane v3, v0;
	_ =	sdelay $0x1  }
0x383: {  	v4 =	vadd.s32 v1, v4;
	_ =	sdelay $0x4  }
0x384: {  	[tilespmem:s30], [sflag:$0x2] =	stream.indirect_vreg.gather [hbm4b:s1+s3], $0x80, v4, vm0, $0xb8;
	[tilespmem:$0x18200] =	vst v63  }
0x385: {  	s22 =	simm.s32 $0x4A00;
	v3 =	vperm.xlane v3, v2  }
0x386: {  	[tilespmem:s22], [sflag:$0x2] =	stream.indirect_vreg.gather [hbm4b:s5+s3], $0x80, v4, vm0, $0xb8;
	[tilespmem:$0x18200] =	vst v63  }
0x387: {  	s24 =	simm.s32 $0x5200;
	v3 =	vadd.s32 v1, v3  }
0x388: {  	[tilespmem:s24], [sflag:$0x2] =	stream.indirect_vreg.gather [hbm4b:s6+s3], $0x80, v4, vm0, $0xb8;
	[tilespmem:$0x18200] =	vst v63  }
0x389: {  	s25 =	simm.s32 $0x5A00  }
0x38a: {  	[tilespmem:s25], [sflag:$0x2] =	stream.indirect_vreg.gather [hbm4b:s7+s3], $0x80, v4, vm0, $0xb8;
	[tilespmem:$0x18200] =	vst v63  }
0x38b: {  	_ = 	snop  }
0x38c: {  	[tilespmem:s0], [sflag:$0x2] =	stream.indirect_vreg.gather [hbm4b:s1+s3], $0x80, v3, vm0, $0xb8;
	[tilespmem:$0x18200] =	vst v63  }
0x38d: {  	s26 =	simm.s32 $0x6A00  }
0x38e: {  	[tilespmem:s26], [sflag:$0x2] =	stream.indirect_vreg.gather [hbm4b:s5+s3], $0x80, v3, vm0, $0xb8;
	[tilespmem:$0x18200] =	vst v63  }
0x38f: {  	s28 =	simm.s32 $0x7200  }
0x390: {  	[tilespmem:s28], [sflag:$0x2] =	stream.indirect_vreg.gather [hbm4b:s6+s3], $0x80, v3, vm0, $0xb8;
	[tilespmem:$0x18200] =	vst v63  }
0x391: {  	s30 =	simm.s32 $0x7A00  }
0x392: {  	[tilespmem:s30], [sflag:$0x2] =	stream.indirect_vreg.gather [hbm4b:s7+s3], $0x80, v3, vm0, $0xb8;
	[tilespmem:$0x18200] =	vst v63  }
0x393: {  	_ =	swait.ge [sflag:s23], $0x4000  }
0x394: {  	[sflag:s23] =	ssyncset.done $0x0  }
0x395: {  	s8 =	simm.s32 $0x8200;
	s0 =	rddreg [dreg:$0x1f];
	[sflag:s23] =	ssyncadd.s32 $0xFFFFC000  }
0x396: {  	[hbm4b:s0+s3] =	stream.linear.scatter [tilespmem:s8], [sflag:$0x9], $0x4000, $0x38;
	[tilespmem:$0x18200] =	vst v63  }
0x397: {  	_ =	swait.ge [sflag:s12], $0x4000  }
0x398: {  	s22 =	sld [smem:$0x7F7]  }
0x399: {  	[sflag:s12] =	ssyncset.done $0x0  }
0x39a: {  	s20 =	simm.s32 $0xC200;
	[sflag:s12] =	ssyncadd.s32 $0xFFFFC000  }
0x39b: {  	[hbm4b:s22+s3] =	stream.linear.scatter [tilespmem:s20], [sflag:$0xA], $0x4000, $0x38;
	[tilespmem:$0x18200] =	vst v63  }
0x39c: {  	_ =	swait.ge [sflag:s14], $0x4000  }
0x39d: {  	s24 =	sld [smem:$0x7F8]  }
0x39e: {  	[sflag:s14] =	ssyncset.done $0x0  }
0x39f: {  	s21 =	simm.s32 $0x10200;
	[sflag:s14] =	ssyncadd.s32 $0xFFFFC000  }
0x3a0: {  	[hbm4b:s24+s3] =	stream.linear.scatter [tilespmem:s21], [sflag:$0xB], $0x4000, $0x38;
	[tilespmem:$0x18200] =	vst v63  }
0x3a1: {  	_ =	swait.ge [sflag:s16], $0x4000  }
0x3a2: {  	s25 =	sld [smem:$0x7F9]  }
0x3a3: {  	[sflag:s16] =	ssyncset.done $0x0  }
0x3a4: {  	s4 =	simm.s32 $0x14200;
	[sflag:s16] =	ssyncadd.s32 $0xFFFFC000  }
0x3a5: {  	[hbm4b:s25+s3] =	stream.linear.scatter [tilespmem:s4], [sflag:$0xC], $0x4000, $0x38;
	[tilespmem:$0x18200] =	vst v63  }
0x3a6: {  	_ =	swait.ge [sflag:s2], $0x4000  }
0x3a7: {  	s26 =	sld [smem:$0x7FA]  }
0x3a8: {  	[sflag:s2] =	ssyncset.done $0x0  }
0x3a9: {  	s10 =	simm.s32 $0x200;
	[sflag:s2] =	ssyncadd.s32 $0xFFFFC000  }
0x3aa: {  	[hbm4b:s26+s3] =	stream.linear.scatter [tilespmem:s10], [sflag:$0x7], $0x4000, $0x38;
	[tilespmem:$0x18200] =	vst v63  }
0x3ab: {  	_ =	swait.ge [sflag:s29], $0x4000  }
0x3ac: {  	s28 =	sld [smem:$0x7FC]  }
0x3ad: {  	[sflag:s29] =	ssyncset.done $0x0  }
0x3ae: {  	s18 =	simm.s32 $0x4200;
	[sflag:s29] =	ssyncadd.s32 $0xFFFFC000  }
0x3af: {  	[hbm4b:s28+s3] =	stream.linear.scatter [tilespmem:s18], [sflag:$0x8], $0x4000, $0x38;
	[tilespmem:$0x18200] =	vst v63  }
0x3b0: {  	s30 =	sld [smem:$0x7F6];
	_ =	swait.ge [sflag:s11], $0x4000  }
0x3b1: {  	[sflag:s11] =	ssyncset.done $0x0  }
0x3b2: {  	[sflag:s11] =	ssyncadd.s32 $0xFFFFC000  }
0x3b3: {  	_ =	swait.ge [sflag:s13], $0x4000  }
0x3b4: {  	[sflag:s13] =	ssyncset.done $0x0  }
0x3b5: {  	[sflag:s13] =	ssyncadd.s32 $0xFFFFC000  }
0x3b6: {  	_ =	swait.ge [sflag:s15], $0x4000  }
0x3b7: {  	[sflag:s15] =	ssyncset.done $0x0  }
0x3b8: {  	[sflag:s15] =	ssyncadd.s32 $0xFFFFC000  }
0x3b9: {  	_ =	swait.ge [sflag:s17], $0x4000  }
0x3ba: {  	[sflag:s17] =	ssyncset.done $0x0  }
0x3bb: {  	[sflag:s17] =	ssyncadd.s32 $0xFFFFC000  }
0x3bc: {  	p0 =	sne.s32 s30, $0x1;
	_ =	swait.ge [sflag:s9], $0x4000  }
.Ltmp0:
0x3bd: {  	[sflag:s9] =	ssyncset.done $0x0;
	(pc) =	sbr.rel @p0 .LBB2_1-.Ltmp0, $4  }
0x3be: {  	[sflag:s9] =	ssyncadd.s32 $0xFFFFC000  }
0x3bf: {  	_ =	swait.ge [sflag:s31], $0x4000  }
0x3c0: {  	[sflag:s31] =	ssyncset.done $0x0  }
0x3c1: {  	s4 =	sadd.s32 $0xFFFFFFFF, s30;
	[sflag:s31] =	ssyncadd.s32 $0xFFFFC000  }
0x3c2: {  	_ =	sfence.sel $0x180000  }
0x3c3: {  	[bflag:$0x0] =	sbarrier.arrive $0xFFFF  }
0x3c4: {  	_ =	strace $0x90000047  }
0x3c5: {  	s0 =	stileid.u32;
	[bflag:$0x2] =	sbarrier.arrive $0xFFFF  }
0x3c6: {  	p0 =	sne.s32 s0, $0x0;
	s0 =	rddreg [dreg:$0x3]  }
0x3c7: {  	s0 =	sadd.s32 @!p0 $0x100000, s0  }
0x3c8: {  	[sflag:s0] =	ssyncadd.tile.s32 @!p0 $0x1;
	_ =	shalt  }
.Lfunc_end2:
_tile_overlayer_lowered:
.L_overlay_start_2:
0x3c9: {  	(tag) =	ssettag $0x2  }
0x3ca: {  	s0 =	rddreg [dreg:$0x0];
	s2 =	stileid.u32  }
0x3cb: {  	s1 =	rddreg [dreg:$0x1];
	p0 =	sne.s32 s2, $0x0  }
0x3cc: {  	s3 =	rddreg [dreg:$0x2];
	[bflag:$0x3] =	sbarrier.arrive $0xFFFF;
	s2 =	simm.s32 @!p0 $0x1C0E  }
0x3cd: {  	[timem:s3], [sflag:s2] =	dma.local @!p0 [hbm:s0], s1  }
0x3ce: {  	s0 =	simm.s32 @!p0 $0xE  }
0x3cf: {  	_ =	swait.ge @!p0 [sflag:s0], s1  }
0x3d0: {  	s1 =	ssub.s32 @!p0 $0x0, s1;
	[sflag:s0] =	ssyncset.done @!p0 $0x0  }
0x3d1: {  	[sflag:s0] =	ssyncadd.s32 @!p0 s1  }
0x3d2: {  	[bflag:$0x3] =	sbarrier.arrive $0xFFFF  }
0x3d3: {  	_ =	shalt  }

</sc_bundles>
